<compile_context>
chip_gen: v7x
topology: tpu7x:2x2x1
jax: 0.10.2.dev20260603
libtpu: 0.0.44.dev20260713+nightly
codegen_flags: <defaults>
</compile_context>

<pallas_src>
import functools

import jax
import jax.numpy as jnp
from jax import lax
from jax.experimental import pallas as pl
from jax.experimental.pallas import tpu as pltpu
from jax.experimental.pallas import tpu_sc as plsc

EMB_K = 64
N_WORKERS = 32
CW = 384
NCH_FULL = 2604
CPW = 82
TAIL_C0 = NCH_FULL * CW
RING = 32
MAX_OUT = 24


def _make_gather_kernel(batch, emb_k, n_rows):
    tail_w = n_rows - TAIL_C0
    mesh = plsc.VectorSubcoreMesh(core_axis_name="c", subcore_axis_name="s")

    @functools.partial(
        pl.kernel,
        mesh=mesh,
        compiler_params=pltpu.CompilerParams(needs_layout_passes=False),
        out_type=[
            jax.ShapeDtypeStruct((batch, emb_k), jnp.float32),
            jax.ShapeDtypeStruct((batch, emb_k), jnp.float32),
        ],
        scratch_types=[
            pltpu.VMEM((batch,), jnp.int32),
            pltpu.VMEM((batch,), jnp.int32),
            pltpu.VMEM((40,), jnp.int32),
            pltpu.VMEM((3, emb_k, CW), jnp.float32),
            pltpu.VMEM((emb_k, n_rows - TAIL_C0), jnp.float32),
            pltpu.VMEM((RING, emb_k), jnp.float32),
            pltpu.SemaphoreType.DMA,
            pltpu.SemaphoreType.DMA,
        ],
    )
    def gather_kernel(usv_hbm, uov_hbm, isv_hbm, iov_hbm,
                      uwb_hbm, iwb_hbm, utabT_hbm, itabT_hbm,
                      uout_hbm, iout_hbm,
                      sval, sord, wb, bbuf, tbuf, slots, semb, semo):
        wid = lax.axis_index("s") * 2 + lax.axis_index("c")
        lane = lax.iota(jnp.int32, 16)

        def extract(ref, pos):
            base = (pos // 16) * 16
            v = ref[pl.ds(base, 16)]
            return jnp.sum(jnp.where(lane == pos - base, v, 0))

        def wait_chunk():
            pltpu.make_async_copy(
                utabT_hbm.at[:, pl.ds(0, CW)], bbuf.at[0], semb).wait()

        def wait_row():
            pltpu.make_async_copy(
                uout_hbm.at[pl.ds(0, 1)], slots.at[pl.ds(0, 1)], semo).wait()

        def do_hit(out, h, n, gather_col):
            v = extract(sval, h)
            p = extract(sord, h)
            slot = n % RING
            for q in range(4):
                col = gather_col(v, q)
                slots[slot, pl.ds(q * 16, 16)] = col
            pltpu.async_copy(slots.at[pl.ds(slot, 1)], out.at[pl.ds(p, 1)],
                             semo)
            n = n + 1

            @pl.when(n > MAX_OUT)
            def _():
                wait_row()
            return n

        def do_table(tabT, sv_hbm, so_hbm, wb_hbm, out, n):
            pltpu.sync_copy(sv_hbm, sval)
            pltpu.sync_copy(so_hbm, sord)
            pltpu.sync_copy(wb_hbm, wb)
            he_w = extract(wb, wid + 1)
            ptr0 = extract(wb, wid)

            def start(c):
                cg = jnp.minimum(wid * CPW + c, NCH_FULL - 1)
                pltpu.async_copy(tabT.at[:, pl.ds(cg * CW, CW)],
                                 bbuf.at[c % 3], semb)

            start(0)
            start(1)

            def chunk_body(c, carry):
                ptr, n = carry
                start(c + 2)
                wait_chunk()
                limit = jnp.minimum((wid * CPW + c + 1) * CW, TAIL_C0)
                par = (c % 3) + lane * 0

                def col_from_chunk(v, q):
                    kvec = q * 16 + lane
                    lvec = (v % CW) + lane * 0
                    return plsc.load_gather(bbuf, [par, kvec, lvec])

                def cond(s):
                    p_, _ = s
                    return jnp.logical_and(p_ < he_w,
                                           extract(sval, p_) < limit)

                def body(s):
                    p_, n_ = s
                    n_ = do_hit(out, p_, n_, col_from_chunk)
                    return p_ + 1, n_

                return lax.while_loop(cond, body, (ptr, n))

            ptr, n = lax.fori_loop(0, CPW, chunk_body, (ptr0, n))
            wait_chunk()
            wait_chunk()

            @pl.when(wid == N_WORKERS - 1)
            def _():
                pltpu.sync_copy(tabT.at[:, pl.ds(TAIL_C0, tail_w)], tbuf)

            def tail_col(v, q):
                kvec = q * 16 + lane
                lvec = (v - TAIL_C0) + lane * 0
                return plsc.load_gather(tbuf, [kvec, lvec])

            def tail_cond(s):
                p_, _ = s
                return p_ < he_w

            def tail_body(s):
                p_, n_ = s
                n_ = do_hit(out, p_, n_, tail_col)
                return p_ + 1, n_

            ptr, n = lax.while_loop(tail_cond, tail_body, (ptr, n))
            return n

        n = do_table(utabT_hbm, usv_hbm, uov_hbm, uwb_hbm, uout_hbm, 0)
        n = do_table(itabT_hbm, isv_hbm, iov_hbm, iwb_hbm, iout_hbm, n)

        def drain(_, c):
            wait_row()
            return c
        lax.fori_loop(0, jnp.minimum(n, MAX_OUT), drain, 0)

    return gather_kernel


def _mlp_body(u_ref, i_ref, w1_ref, b1_ref, w2_ref, out_ref):
    u = u_ref[...]
    it = i_ref[...]
    w1 = w1_ref[...]
    wa = w1[:, :EMB_K]
    wb = w1[:, EMB_K:]
    dn = (((1,), (1,)), ((), ()))
    h = lax.dot_general(u, wa, dn, preferred_element_type=jnp.float32)
    h = h + lax.dot_general(it, wb, dn, preferred_element_type=jnp.float32)
    h = jnp.maximum(h + b1_ref[...], 0.0)
    out_ref[...] = lax.dot_general(h, w2_ref[...], dn,
                                   preferred_element_type=jnp.float32)


def _mlp(u, it, W1, b1, W2, blk):
    batch = u.shape[0]
    return pl.pallas_call(
        _mlp_body,
        grid=(batch // blk,),
        in_specs=[
            pl.BlockSpec((blk, EMB_K), lambda b: (b, 0)),
            pl.BlockSpec((blk, EMB_K), lambda b: (b, 0)),
            pl.BlockSpec((EMB_K, 2 * EMB_K), lambda b: (0, 0)),
            pl.BlockSpec((1, EMB_K), lambda b: (0, 0)),
            pl.BlockSpec((1, EMB_K), lambda b: (0, 0)),
        ],
        out_specs=pl.BlockSpec((blk, 1), lambda b: (b, 0)),
        out_shape=jax.ShapeDtypeStruct((batch, 1), jnp.float32),
    )(u, it, W1, b1.reshape(1, EMB_K), W2)


def _prep(idx, batch):
    pos = jnp.arange(batch, dtype=jnp.int32)
    sval, sord = lax.sort_key_val(idx, pos)
    bounds = jnp.arange(33, dtype=jnp.int32) * (CPW * CW)
    wb = jnp.searchsorted(sval, bounds, side="left").astype(jnp.int32)
    wb = jnp.pad(wb, (0, 7))
    return sval, sord, wb


def kernel(x, user_table, item_table, W1, b1, W2):
    batch = x.shape[0]
    emb_k = user_table.shape[1]
    n_rows = user_table.shape[0]
    usv, uov, uwb = _prep(x[:, 0], batch)
    isv, iov, iwb = _prep(x[:, 1], batch)
    gk = _make_gather_kernel(batch, emb_k, n_rows)
    user_embed, item_embed = gk(usv, uov, isv, iov, uwb, iwb,
                                user_table.T, item_table.T)
    out = _mlp(user_embed, item_embed, W1, b1, W2, blk=2048)
    return (out, user_embed, item_embed)

# --- scband reference (transcript-rebuilt; emitter-appended) ---
"""Pipeline reference for scband-ncf-2911987826848 (READ-ONLY COPY).

The authoritative reference and input builder live on the scoring server;
editing this copy changes nothing except your own understanding.
"""

import jax, jax.numpy as jnp
import numpy as np

NUM_USERS = 1000000
NUM_ITEMS = 1000000
EMB_K = 64
BATCH = 16384


def setup_inputs(seed: int = 0) -> dict:
    key = jax.random.key(seed)
    k1, k2, k3, k4, k5, k6 = jax.random.split(key, 6)
    x = jax.random.randint(k1, (BATCH, 2), 0, NUM_USERS, dtype=jnp.int32)
    user_table = jax.random.normal(k2, (NUM_USERS, EMB_K), dtype=jnp.float32) * 0.02
    item_table = jax.random.normal(k3, (NUM_ITEMS, EMB_K), dtype=jnp.float32) * 0.02
    # torch nn.Linear convention: weight shape [out_features, in_features]
    W1 = jax.random.normal(k4, (EMB_K, EMB_K * 2), dtype=jnp.float32) * (1.0 / np.sqrt(EMB_K * 2))
    b1 = jax.random.normal(k5, (EMB_K,), dtype=jnp.float32) * 0.01
    W2 = jax.random.normal(k6, (1, EMB_K), dtype=jnp.float32) * (1.0 / np.sqrt(EMB_K))
    return {"x": x, "user_table": user_table, "item_table": item_table, "W1": W1, "b1": b1, "W2": W2}


def reference(x, user_table, item_table, W1, b1, W2):
    user_idx = x[:, 0]
    item_idx = x[:, 1]
    user_embed = jnp.take(user_table, user_idx, axis=0)
    item_embed = jnp.take(item_table, item_idx, axis=0)
    z_embed = jnp.concatenate([user_embed, item_embed], axis=1)
    h1 = jax.nn.relu(z_embed @ W1.T + b1)
    out = h1 @ W2.T
    return (out, user_embed, item_embed)

if __name__ == "__main__":
    import jax
    _d = setup_inputs()
    print(jax.jit(kernel)(*tuple(_d.values())))

</pallas_src>

<mosaic_0001>
#map = affine_map<(d0, d1) -> (0)>
#map1 = affine_map<(d0, d1) -> (0, 0)>
module attributes {stable_mosaic.version = 14 : i64} {
  func.func @gather_kernel(%arg0: i32, %arg1: i32, %arg2: memref<16384xi32, #tpu.memory_space<hbm>>, %arg3: memref<16384xi32, #tpu.memory_space<hbm>>, %arg4: memref<16384xi32, #tpu.memory_space<hbm>>, %arg5: memref<16384xi32, #tpu.memory_space<hbm>>, %arg6: memref<40xi32, #tpu.memory_space<hbm>>, %arg7: memref<40xi32, #tpu.memory_space<hbm>>, %arg8: memref<64x1000000xf32, #tpu.memory_space<hbm>>, %arg9: memref<64x1000000xf32, #tpu.memory_space<hbm>>, %arg10: memref<16384x64xf32, #tpu.memory_space<hbm>>, %arg11: memref<16384x64xf32, #tpu.memory_space<hbm>>, %arg12: memref<16384xi32, #tpu.memory_space<vmem>>, %arg13: memref<16384xi32, #tpu.memory_space<vmem>>, %arg14: memref<40xi32, #tpu.memory_space<vmem>>, %arg15: memref<3x64x384xf32, #tpu.memory_space<vmem>>, %arg16: memref<64x64xf32, #tpu.memory_space<vmem>>, %arg17: memref<32x64xf32, #tpu.memory_space<vmem>>, %arg18: memref<!tpu.dma_semaphore, #tpu.memory_space<semaphore_mem>>, %arg19: memref<!tpu.dma_semaphore, #tpu.memory_space<semaphore_mem>>) attributes {dimension_semantics = [#tpu.dimension_semantics<core_parallel>, #tpu.dimension_semantics<subcore_parallel>], iteration_bounds = array<i64: 2, 16>, scalar_prefetch = 0 : i64, scratch_operands = 8 : i64, tpu.core_type = #tpu.core_type<sc_vector_subcore>, window_params = [{transform_indices = #map}, {transform_indices = #map}, {transform_indices = #map}, {transform_indices = #map}, {transform_indices = #map}, {transform_indices = #map}, {transform_indices = #map1}, {transform_indices = #map1}, {transform_indices = #map1}, {transform_indices = #map1}]} {
    %mul3A = arith.constant 2 : i32
    %mul3A_0 = arith.muli %arg1, %mul3A : i32
    %add3A = arith.addi %mul3A_0, %arg0 : i32
    %iota3A = tpu.iota {dimensions = array<i32: 0>} : vector<16xi32>
    "tpu.region"() ({
      %run_scoped3A = tpu.sem_alloc : memref<!tpu.dma_semaphore, #tpu.memory_space<semaphore_mem>>
      tpu.enqueue_dma source(%arg2 : memref<16384xi32, #tpu.memory_space<hbm>>) target(%arg12 : memref<16384xi32, #tpu.memory_space<vmem>>) target_semaphore(%run_scoped3A : memref<!tpu.dma_semaphore, #tpu.memory_space<semaphore_mem>>)
      tpu.wait_dma2 semaphore(%run_scoped3A : memref<!tpu.dma_semaphore, #tpu.memory_space<semaphore_mem>>) src(%arg2 : memref<16384xi32, #tpu.memory_space<hbm>>) dst(%arg12 : memref<16384xi32, #tpu.memory_space<vmem>>)
      tpu.yield
    }) : () -> ()
    "tpu.region"() ({
      %run_scoped3A = tpu.sem_alloc : memref<!tpu.dma_semaphore, #tpu.memory_space<semaphore_mem>>
      tpu.enqueue_dma source(%arg3 : memref<16384xi32, #tpu.memory_space<hbm>>) target(%arg13 : memref<16384xi32, #tpu.memory_space<vmem>>) target_semaphore(%run_scoped3A : memref<!tpu.dma_semaphore, #tpu.memory_space<semaphore_mem>>)
      tpu.wait_dma2 semaphore(%run_scoped3A : memref<!tpu.dma_semaphore, #tpu.memory_space<semaphore_mem>>) src(%arg3 : memref<16384xi32, #tpu.memory_space<hbm>>) dst(%arg13 : memref<16384xi32, #tpu.memory_space<vmem>>)
      tpu.yield
    }) : () -> ()
    "tpu.region"() ({
      %run_scoped3A = tpu.sem_alloc : memref<!tpu.dma_semaphore, #tpu.memory_space<semaphore_mem>>
      tpu.enqueue_dma source(%arg6 : memref<40xi32, #tpu.memory_space<hbm>>) target(%arg14 : memref<40xi32, #tpu.memory_space<vmem>>) target_semaphore(%run_scoped3A : memref<!tpu.dma_semaphore, #tpu.memory_space<semaphore_mem>>)
      tpu.wait_dma2 semaphore(%run_scoped3A : memref<!tpu.dma_semaphore, #tpu.memory_space<semaphore_mem>>) src(%arg6 : memref<40xi32, #tpu.memory_space<hbm>>) dst(%arg14 : memref<40xi32, #tpu.memory_space<vmem>>)
      tpu.yield
    }) : () -> ()
    %add3A_1 = arith.constant 1 : i32
    %add3A_2 = arith.addi %add3A, %add3A_1 : i32
    %jit3A = arith.constant 16 : i32
    %div3A = arith.divsi %add3A_2, %jit3A : i32
    %sign3A = arith.constant 0 : i32
    %sign3A_3 = arith.cmpi sgt, %add3A_2, %sign3A : i32
    %sign3A_4 = arith.extui %sign3A_3 : i1 to i32
    %sign3A_5 = arith.constant 0 : i32
    %sign3A_6 = arith.cmpi slt, %add3A_2, %sign3A_5 : i32
    %sign3A_7 = arith.extui %sign3A_6 : i1 to i32
    %sign3A_8 = arith.subi %sign3A_4, %sign3A_7 : i32
    %sign3A_9 = arith.constant 0 : i32
    %sign3A_10 = arith.cmpi sgt, %jit3A, %sign3A_9 : i32
    %sign3A_11 = arith.extui %sign3A_10 : i1 to i32
    %sign3A_12 = arith.constant 0 : i32
    %sign3A_13 = arith.cmpi slt, %jit3A, %sign3A_12 : i32
    %sign3A_14 = arith.extui %sign3A_13 : i1 to i32
    %sign3A_15 = arith.subi %sign3A_11, %sign3A_14 : i32
    %ne3A = arith.cmpi ne, %sign3A_8, %sign3A_15 : i32
    %rem3A = arith.remsi %add3A_2, %jit3A : i32
    %ne3A_16 = arith.constant 0 : i32
    %ne3A_17 = arith.cmpi ne, %rem3A, %ne3A_16 : i32
    %and3A = arith.andi %ne3A, %ne3A_17 : i1
    %sub3A = arith.constant 1 : i32
    %sub3A_18 = arith.subi %div3A, %sub3A : i32
    %select_n3A = arith.select %and3A, %sub3A_18, %div3A : i32
    %mul3A_19 = arith.constant 16 : i32
    %mul3A_20 = arith.muli %select_n3A, %mul3A_19 : i32
    %get3A = arith.index_cast %mul3A_20 : i32 to index
    %get3A_21 = tpu.vector_load %arg14[%get3A] {strides = array<i32>} : memref<40xi32, #tpu.memory_space<vmem>>, vector<16xi32>,
    %sub3A_22 = arith.subi %add3A_2, %mul3A_20 : i32
    %eq3A = vector.broadcast %sub3A_22 : i32 to vector<16xi32>
    %eq3A_23 = arith.cmpi eq, %iota3A, %eq3A : vector<16xi32>
    %jit3A_24 = arith.constant 0 : i32
    %broadcast_in_dim3A = vector.broadcast %jit3A_24 : i32 to vector<16xi32>
    %select_n3A_25 = arith.select %eq3A_23, %get3A_21, %broadcast_in_dim3A : vector<16xi1>, vector<16xi32>
    %reduce_sum3A = arith.constant true
    %reduce_sum3A_26 = vector.broadcast %reduce_sum3A : i1 to vector<16xi1>
    %reduce_sum3A_27 = tpu.scan <sum>, %select_n3A_25 masked %reduce_sum3A_26 : vector<16xi32>, vector<16xi1> -> vector<16xi32>
    %reduce_sum3A_28 = vector.extract %reduce_sum3A_27[15] : i32 from vector<16xi32>
    %jit3A_29 = arith.constant 16 : i32
    %div3A_30 = arith.divsi %add3A, %jit3A_29 : i32
    %sign3A_31 = arith.constant 0 : i32
    %sign3A_32 = arith.cmpi sgt, %add3A, %sign3A_31 : i32
    %sign3A_33 = arith.extui %sign3A_32 : i1 to i32
    %sign3A_34 = arith.constant 0 : i32
    %sign3A_35 = arith.cmpi slt, %add3A, %sign3A_34 : i32
    %sign3A_36 = arith.extui %sign3A_35 : i1 to i32
    %sign3A_37 = arith.subi %sign3A_33, %sign3A_36 : i32
    %sign3A_38 = arith.constant 0 : i32
    %sign3A_39 = arith.cmpi sgt, %jit3A_29, %sign3A_38 : i32
    %sign3A_40 = arith.extui %sign3A_39 : i1 to i32
    %sign3A_41 = arith.constant 0 : i32
    %sign3A_42 = arith.cmpi slt, %jit3A_29, %sign3A_41 : i32
    %sign3A_43 = arith.extui %sign3A_42 : i1 to i32
    %sign3A_44 = arith.subi %sign3A_40, %sign3A_43 : i32
    %ne3A_45 = arith.cmpi ne, %sign3A_37, %sign3A_44 : i32
    %rem3A_46 = arith.remsi %add3A, %jit3A_29 : i32
    %ne3A_47 = arith.constant 0 : i32
    %ne3A_48 = arith.cmpi ne, %rem3A_46, %ne3A_47 : i32
    %and3A_49 = arith.andi %ne3A_45, %ne3A_48 : i1
    %sub3A_50 = arith.constant 1 : i32
    %sub3A_51 = arith.subi %div3A_30, %sub3A_50 : i32
    %select_n3A_52 = arith.select %and3A_49, %sub3A_51, %div3A_30 : i32
    %mul3A_53 = arith.constant 16 : i32
    %mul3A_54 = arith.muli %select_n3A_52, %mul3A_53 : i32
    %get3A_55 = arith.index_cast %mul3A_54 : i32 to index
    %get3A_56 = tpu.vector_load %arg14[%get3A_55] {strides = array<i32>} : memref<40xi32, #tpu.memory_space<vmem>>, vector<16xi32>,
    %sub3A_57 = arith.subi %add3A, %mul3A_54 : i32
    %eq3A_58 = vector.broadcast %sub3A_57 : i32 to vector<16xi32>
    %eq3A_59 = arith.cmpi eq, %iota3A, %eq3A_58 : vector<16xi32>
    %jit3A_60 = arith.constant 0 : i32
    %broadcast_in_dim3A_61 = vector.broadcast %jit3A_60 : i32 to vector<16xi32>
    %select_n3A_62 = arith.select %eq3A_59, %get3A_56, %broadcast_in_dim3A_61 : vector<16xi1>, vector<16xi32>
    %reduce_sum3A_63 = arith.constant true
    %reduce_sum3A_64 = vector.broadcast %reduce_sum3A_63 : i1 to vector<16xi1>
    %reduce_sum3A_65 = tpu.scan <sum>, %select_n3A_62 masked %reduce_sum3A_64 : vector<16xi32>, vector<16xi1> -> vector<16xi32>
    %reduce_sum3A_66 = vector.extract %reduce_sum3A_65[15] : i32 from vector<16xi32>
    %mul3A_67 = arith.constant 82 : i32
    %mul3A_68 = arith.muli %add3A, %mul3A_67 : i32
    %add3A_69 = arith.constant 0 : i32
    %add3A_70 = arith.addi %mul3A_68, %add3A_69 : i32
    %min3A = arith.constant 2603 : i32
    %min3A_71 = arith.minsi %add3A_70, %min3A : i32
    %mul3A_72 = arith.constant 384 : i32
    %mul3A_73 = arith.muli %min3A_71, %mul3A_72 : i32
    %dma_start3A = arith.constant 0 : i32
    %dma_start3A_74 = arith.constant 0 : i32
    %dma_start3A_75 = arith.constant 0 : i32
    %dma_start3A_76 = tpu.memref_slice %arg15[%dma_start3A, %dma_start3A_74, %dma_start3A_75] : memref<3x64x384xf32, #tpu.memory_space<vmem>> -> memref<1x64x384xf32, #tpu.memory_space<vmem>>
    %dma_start3A_77 = tpu.memref_squeeze %dma_start3A_76 : memref<1x64x384xf32, #tpu.memory_space<vmem>> -> memref<64x384xf32, #tpu.memory_space<vmem>>
    %dma_start3A_78 = arith.constant 0 : i32
    %dma_start3A_79 = tpu.memref_slice %arg8[%dma_start3A_78, %mul3A_73] : memref<64x1000000xf32, #tpu.memory_space<hbm>> -> memref<64x384xf32, #tpu.memory_space<hbm>>
    %dma_start3A_80 = arith.constant 0 : i32
    %dma_start3A_81 = arith.constant 0 : i32
    %dma_start3A_82 = tpu.memref_slice %arg15[%dma_start3A, %dma_start3A_80, %dma_start3A_81] : memref<3x64x384xf32, #tpu.memory_space<vmem>> -> memref<1x64x384xf32, #tpu.memory_space<vmem>>
    %dma_start3A_83 = tpu.memref_squeeze %dma_start3A_82 : memref<1x64x384xf32, #tpu.memory_space<vmem>> -> memref<64x384xf32, #tpu.memory_space<vmem>>
    %dma_start3A_84 = arith.constant 0 : i32
    %dma_start3A_85 = tpu.memref_slice %arg8[%dma_start3A_84, %mul3A_73] : memref<64x1000000xf32, #tpu.memory_space<hbm>> -> memref<64x384xf32, #tpu.memory_space<hbm>>
    tpu.enqueue_dma source(%dma_start3A_85 : memref<64x384xf32, #tpu.memory_space<hbm>>) target(%dma_start3A_83 : memref<64x384xf32, #tpu.memory_space<vmem>>) target_semaphore(%arg18 : memref<!tpu.dma_semaphore, #tpu.memory_space<semaphore_mem>>)
    %mul3A_86 = arith.constant 82 : i32
    %mul3A_87 = arith.muli %add3A, %mul3A_86 : i32
    %add3A_88 = arith.constant 1 : i32
    %add3A_89 = arith.addi %mul3A_87, %add3A_88 : i32
    %min3A_90 = arith.constant 2603 : i32
    %min3A_91 = arith.minsi %add3A_89, %min3A_90 : i32
    %mul3A_92 = arith.constant 384 : i32
    %mul3A_93 = arith.muli %min3A_91, %mul3A_92 : i32
    %dma_start3A_94 = arith.constant 1 : i32
    %dma_start3A_95 = arith.constant 0 : i32
    %dma_start3A_96 = arith.constant 0 : i32
    %dma_start3A_97 = tpu.memref_slice %arg15[%dma_start3A_94, %dma_start3A_95, %dma_start3A_96] : memref<3x64x384xf32, #tpu.memory_space<vmem>> -> memref<1x64x384xf32, #tpu.memory_space<vmem>>
    %dma_start3A_98 = tpu.memref_squeeze %dma_start3A_97 : memref<1x64x384xf32, #tpu.memory_space<vmem>> -> memref<64x384xf32, #tpu.memory_space<vmem>>
    %dma_start3A_99 = arith.constant 0 : i32
    %dma_start3A_100 = tpu.memref_slice %arg8[%dma_start3A_99, %mul3A_93] : memref<64x1000000xf32, #tpu.memory_space<hbm>> -> memref<64x384xf32, #tpu.memory_space<hbm>>
    %dma_start3A_101 = arith.constant 0 : i32
    %dma_start3A_102 = arith.constant 0 : i32
    %dma_start3A_103 = tpu.memref_slice %arg15[%dma_start3A_94, %dma_start3A_101, %dma_start3A_102] : memref<3x64x384xf32, #tpu.memory_space<vmem>> -> memref<1x64x384xf32, #tpu.memory_space<vmem>>
    %dma_start3A_104 = tpu.memref_squeeze %dma_start3A_103 : memref<1x64x384xf32, #tpu.memory_space<vmem>> -> memref<64x384xf32, #tpu.memory_space<vmem>>
    %dma_start3A_105 = arith.constant 0 : i32
    %dma_start3A_106 = tpu.memref_slice %arg8[%dma_start3A_105, %mul3A_93] : memref<64x1000000xf32, #tpu.memory_space<hbm>> -> memref<64x384xf32, #tpu.memory_space<hbm>>
    tpu.enqueue_dma source(%dma_start3A_106 : memref<64x384xf32, #tpu.memory_space<hbm>>) target(%dma_start3A_104 : memref<64x384xf32, #tpu.memory_space<vmem>>) target_semaphore(%arg18 : memref<!tpu.dma_semaphore, #tpu.memory_space<semaphore_mem>>)
    %scan3A = arith.constant 0 : i32
    %scan3A_107 = arith.constant 0 : i32
    %scan3A_108 = arith.constant 82 : i32
    %scan3A_109 = arith.addi %scan3A_107, %scan3A_108 : i32
    %scan3A_110 = arith.constant 1 : i32
    %scan3A_111:2 = scf.for %scan3A_319 = %scan3A_107 to %scan3A_109 step %scan3A_110 iter_args(%scan3A_320 = %reduce_sum3A_66, %scan3A_321 = %scan3A) -> (i32, i32)  : i32 {
      %add3A_322 = arith.constant 2 : i32
      %add3A_323 = arith.addi %scan3A_319, %add3A_322 : i32
      %mul3A_324 = arith.constant 82 : i32
      %mul3A_325 = arith.muli %add3A, %mul3A_324 : i32
      %add3A_326 = arith.addi %mul3A_325, %add3A_323 : i32
      %min3A_327 = arith.constant 2603 : i32
      %min3A_328 = arith.minsi %add3A_326, %min3A_327 : i32
      %mul3A_329 = arith.constant 384 : i32
      %mul3A_330 = arith.muli %min3A_328, %mul3A_329 : i32
      %jit3A_331 = arith.constant 3 : i32
      %eq3A_332 = arith.constant 0 : i32
      %eq3A_333 = arith.cmpi eq, %jit3A_331, %eq3A_332 : i32
      %jit3A_334 = arith.constant 1 : i32
      %select_n3A_335 = arith.select %eq3A_333, %jit3A_334, %jit3A_331 : i32
      %rem3A_336 = arith.remsi %add3A_323, %select_n3A_335 : i32
      %ne3A_337 = arith.constant 0 : i32
      %ne3A_338 = arith.cmpi ne, %rem3A_336, %ne3A_337 : i32
      %lt3A = arith.constant 0 : i32
      %lt3A_339 = arith.cmpi slt, %rem3A_336, %lt3A : i32
      %lt3A_340 = arith.constant 0 : i32
      %lt3A_341 = arith.cmpi slt, %select_n3A_335, %lt3A_340 : i32
      %ne3A_342 = arith.xori %lt3A_339, %lt3A_341 : i1
      %and3A_343 = arith.andi %ne3A_342, %ne3A_338 : i1
      %add3A_344 = arith.addi %rem3A_336, %select_n3A_335 : i32
      %select_n3A_345 = arith.select %and3A_343, %add3A_344, %rem3A_336 : i32
      %dma_start3A_346 = arith.constant 0 : i32
      %dma_start3A_347 = arith.constant 0 : i32
      %dma_start3A_348 = tpu.memref_slice %arg15[%select_n3A_345, %dma_start3A_346, %dma_start3A_347] : memref<3x64x384xf32, #tpu.memory_space<vmem>> -> memref<1x64x384xf32, #tpu.memory_space<vmem>>
      %dma_start3A_349 = tpu.memref_squeeze %dma_start3A_348 : memref<1x64x384xf32, #tpu.memory_space<vmem>> -> memref<64x384xf32, #tpu.memory_space<vmem>>
      %dma_start3A_350 = arith.constant 0 : i32
      %dma_start3A_351 = tpu.memref_slice %arg8[%dma_start3A_350, %mul3A_330] : memref<64x1000000xf32, #tpu.memory_space<hbm>> -> memref<64x384xf32, #tpu.memory_space<hbm>>
      %dma_start3A_352 = arith.constant 0 : i32
      %dma_start3A_353 = arith.constant 0 : i32
      %dma_start3A_354 = tpu.memref_slice %arg15[%select_n3A_345, %dma_start3A_352, %dma_start3A_353] : memref<3x64x384xf32, #tpu.memory_space<vmem>> -> memref<1x64x384xf32, #tpu.memory_space<vmem>>
      %dma_start3A_355 = tpu.memref_squeeze %dma_start3A_354 : memref<1x64x384xf32, #tpu.memory_space<vmem>> -> memref<64x384xf32, #tpu.memory_space<vmem>>
      %dma_start3A_356 = arith.constant 0 : i32
      %dma_start3A_357 = tpu.memref_slice %arg8[%dma_start3A_356, %mul3A_330] : memref<64x1000000xf32, #tpu.memory_space<hbm>> -> memref<64x384xf32, #tpu.memory_space<hbm>>
      tpu.enqueue_dma source(%dma_start3A_357 : memref<64x384xf32, #tpu.memory_space<hbm>>) target(%dma_start3A_355 : memref<64x384xf32, #tpu.memory_space<vmem>>) target_semaphore(%arg18 : memref<!tpu.dma_semaphore, #tpu.memory_space<semaphore_mem>>)
      %dma_wait3A_358 = arith.constant 0 : i32
      %dma_wait3A_359 = arith.constant 0 : i32
      %dma_wait3A_360 = arith.constant 0 : i32
      %dma_wait3A_361 = tpu.memref_slice %arg15[%dma_wait3A_358, %dma_wait3A_359, %dma_wait3A_360] : memref<3x64x384xf32, #tpu.memory_space<vmem>> -> memref<1x64x384xf32, #tpu.memory_space<vmem>>
      %dma_wait3A_362 = tpu.memref_squeeze %dma_wait3A_361 : memref<1x64x384xf32, #tpu.memory_space<vmem>> -> memref<64x384xf32, #tpu.memory_space<vmem>>
      %dma_wait3A_363 = arith.constant 0 : i32
      %dma_wait3A_364 = arith.constant 0 : i32
      %dma_wait3A_365 = tpu.memref_slice %arg8[%dma_wait3A_363, %dma_wait3A_364] : memref<64x1000000xf32, #tpu.memory_space<hbm>> -> memref<64x384xf32, #tpu.memory_space<hbm>>
      %dma_wait3A_366 = arith.constant 0 : i32
      %dma_wait3A_367 = arith.constant 0 : i32
      %dma_wait3A_368 = tpu.memref_slice %arg15[%dma_wait3A_358, %dma_wait3A_366, %dma_wait3A_367] : memref<3x64x384xf32, #tpu.memory_space<vmem>> -> memref<1x64x384xf32, #tpu.memory_space<vmem>>
      %dma_wait3A_369 = tpu.memref_squeeze %dma_wait3A_368 : memref<1x64x384xf32, #tpu.memory_space<vmem>> -> memref<64x384xf32, #tpu.memory_space<vmem>>
      %dma_wait3A_370 = arith.constant 0 : i32
      %dma_wait3A_371 = arith.constant 0 : i32
      %dma_wait3A_372 = tpu.memref_slice %arg8[%dma_wait3A_370, %dma_wait3A_371] : memref<64x1000000xf32, #tpu.memory_space<hbm>> -> memref<64x384xf32, #tpu.memory_space<hbm>>
      tpu.wait_dma2 semaphore(%arg18 : memref<!tpu.dma_semaphore, #tpu.memory_space<semaphore_mem>>) src(%dma_wait3A_372 : memref<64x384xf32, #tpu.memory_space<hbm>>) dst(%dma_wait3A_369 : memref<64x384xf32, #tpu.memory_space<vmem>>)
      %mul3A_373 = arith.constant 82 : i32
      %mul3A_374 = arith.muli %add3A, %mul3A_373 : i32
      %add3A_375 = arith.addi %mul3A_374, %scan3A_319 : i32
      %add3A_376 = arith.constant 1 : i32
      %add3A_377 = arith.addi %add3A_375, %add3A_376 : i32
      %mul3A_378 = arith.constant 384 : i32
      %mul3A_379 = arith.muli %add3A_377, %mul3A_378 : i32
      %min3A_380 = arith.constant 999936 : i32
      %min3A_381 = arith.minsi %mul3A_379, %min3A_380 : i32
      %jit3A_382 = arith.constant 3 : i32
      %eq3A_383 = arith.constant 0 : i32
      %eq3A_384 = arith.cmpi eq, %jit3A_382, %eq3A_383 : i32
      %jit3A_385 = arith.constant 1 : i32
      %select_n3A_386 = arith.select %eq3A_384, %jit3A_385, %jit3A_382 : i32
      %rem3A_387 = arith.remsi %scan3A_319, %select_n3A_386 : i32
      %ne3A_388 = arith.constant 0 : i32
      %ne3A_389 = arith.cmpi ne, %rem3A_387, %ne3A_388 : i32
      %lt3A_390 = arith.constant 0 : i32
      %lt3A_391 = arith.cmpi slt, %rem3A_387, %lt3A_390 : i32
      %lt3A_392 = arith.constant 0 : i32
      %lt3A_393 = arith.cmpi slt, %select_n3A_386, %lt3A_392 : i32
      %ne3A_394 = arith.xori %lt3A_391, %lt3A_393 : i1
      %and3A_395 = arith.andi %ne3A_394, %ne3A_389 : i1
      %add3A_396 = arith.addi %rem3A_387, %select_n3A_386 : i32
      %select_n3A_397 = arith.select %and3A_395, %add3A_396, %rem3A_387 : i32
      %mul3A_398 = arith.constant 0 : i32
      %mul3A_399 = vector.broadcast %mul3A_398 : i32 to vector<16xi32>
      %mul3A_400 = arith.muli %iota3A, %mul3A_399 : vector<16xi32>
      %add3A_401 = vector.broadcast %select_n3A_397 : i32 to vector<16xi32>
      %add3A_402 = arith.addi %add3A_401, %mul3A_400 : vector<16xi32>
      %while3A_403:2 = scf.while (%while3A_404 = %scan3A_320, %while3A_405 = %scan3A_321) : (i32, i32) -> (i32, i32) {
        %lt3A_406 = arith.cmpi slt, %while3A_404, %reduce_sum3A_28 : i32
        %jit3A_407 = arith.constant 16 : i32
        %div3A_408 = arith.divsi %while3A_404, %jit3A_407 : i32
        %sign3A_409 = arith.constant 0 : i32
        %sign3A_410 = arith.cmpi sgt, %while3A_404, %sign3A_409 : i32
        %sign3A_411 = arith.extui %sign3A_410 : i1 to i32
        %sign3A_412 = arith.constant 0 : i32
        %sign3A_413 = arith.cmpi slt, %while3A_404, %sign3A_412 : i32
        %sign3A_414 = arith.extui %sign3A_413 : i1 to i32
        %sign3A_415 = arith.subi %sign3A_411, %sign3A_414 : i32
        %sign3A_416 = arith.constant 0 : i32
        %sign3A_417 = arith.cmpi sgt, %jit3A_407, %sign3A_416 : i32
        %sign3A_418 = arith.extui %sign3A_417 : i1 to i32
        %sign3A_419 = arith.constant 0 : i32
        %sign3A_420 = arith.cmpi slt, %jit3A_407, %sign3A_419 : i32
        %sign3A_421 = arith.extui %sign3A_420 : i1 to i32
        %sign3A_422 = arith.subi %sign3A_418, %sign3A_421 : i32
        %ne3A_423 = arith.cmpi ne, %sign3A_415, %sign3A_422 : i32
        %rem3A_424 = arith.remsi %while3A_404, %jit3A_407 : i32
        %ne3A_425 = arith.constant 0 : i32
        %ne3A_426 = arith.cmpi ne, %rem3A_424, %ne3A_425 : i32
        %and3A_427 = arith.andi %ne3A_423, %ne3A_426 : i1
        %sub3A_428 = arith.constant 1 : i32
        %sub3A_429 = arith.subi %div3A_408, %sub3A_428 : i32
        %select_n3A_430 = arith.select %and3A_427, %sub3A_429, %div3A_408 : i32
        %mul3A_431 = arith.constant 16 : i32
        %mul3A_432 = arith.muli %select_n3A_430, %mul3A_431 : i32
        %get3A_433 = arith.index_cast %mul3A_432 : i32 to index
        %get3A_434 = tpu.vector_load %arg12[%get3A_433] {strides = array<i32>} : memref<16384xi32, #tpu.memory_space<vmem>>, vector<16xi32>,
        %sub3A_435 = arith.subi %while3A_404, %mul3A_432 : i32
        %eq3A_436 = vector.broadcast %sub3A_435 : i32 to vector<16xi32>
        %eq3A_437 = arith.cmpi eq, %iota3A, %eq3A_436 : vector<16xi32>
        %jit3A_438 = arith.constant 0 : i32
        %broadcast_in_dim3A_439 = vector.broadcast %jit3A_438 : i32 to vector<16xi32>
        %select_n3A_440 = arith.select %eq3A_437, %get3A_434, %broadcast_in_dim3A_439 : vector<16xi1>, vector<16xi32>
        %reduce_sum3A_441 = arith.constant true
        %reduce_sum3A_442 = vector.broadcast %reduce_sum3A_441 : i1 to vector<16xi1>
        %reduce_sum3A_443 = tpu.scan <sum>, %select_n3A_440 masked %reduce_sum3A_442 : vector<16xi32>, vector<16xi1> -> vector<16xi32>
        %reduce_sum3A_444 = vector.extract %reduce_sum3A_443[15] : i32 from vector<16xi32>
        %lt3A_445 = arith.cmpi slt, %reduce_sum3A_444, %min3A_381 : i32
        %and3A_446 = arith.andi %lt3A_406, %lt3A_445 : i1
        scf.condition(%and3A_446) %while3A_404, %while3A_405 : i32, i32
      } do {
      ^bb0(%while3A_404: i32, %while3A_405: i32):
        %jit3A_406 = arith.constant 16 : i32
        %div3A_407 = arith.divsi %while3A_404, %jit3A_406 : i32
        %sign3A_408 = arith.constant 0 : i32
        %sign3A_409 = arith.cmpi sgt, %while3A_404, %sign3A_408 : i32
        %sign3A_410 = arith.extui %sign3A_409 : i1 to i32
        %sign3A_411 = arith.constant 0 : i32
        %sign3A_412 = arith.cmpi slt, %while3A_404, %sign3A_411 : i32
        %sign3A_413 = arith.extui %sign3A_412 : i1 to i32
        %sign3A_414 = arith.subi %sign3A_410, %sign3A_413 : i32
        %sign3A_415 = arith.constant 0 : i32
        %sign3A_416 = arith.cmpi sgt, %jit3A_406, %sign3A_415 : i32
        %sign3A_417 = arith.extui %sign3A_416 : i1 to i32
        %sign3A_418 = arith.constant 0 : i32
        %sign3A_419 = arith.cmpi slt, %jit3A_406, %sign3A_418 : i32
        %sign3A_420 = arith.extui %sign3A_419 : i1 to i32
        %sign3A_421 = arith.subi %sign3A_417, %sign3A_420 : i32
        %ne3A_422 = arith.cmpi ne, %sign3A_414, %sign3A_421 : i32
        %rem3A_423 = arith.remsi %while3A_404, %jit3A_406 : i32
        %ne3A_424 = arith.constant 0 : i32
        %ne3A_425 = arith.cmpi ne, %rem3A_423, %ne3A_424 : i32
        %and3A_426 = arith.andi %ne3A_422, %ne3A_425 : i1
        %sub3A_427 = arith.constant 1 : i32
        %sub3A_428 = arith.subi %div3A_407, %sub3A_427 : i32
        %select_n3A_429 = arith.select %and3A_426, %sub3A_428, %div3A_407 : i32
        %mul3A_430 = arith.constant 16 : i32
        %mul3A_431 = arith.muli %select_n3A_429, %mul3A_430 : i32
        %get3A_432 = arith.index_cast %mul3A_431 : i32 to index
        %get3A_433 = tpu.vector_load %arg12[%get3A_432] {strides = array<i32>} : memref<16384xi32, #tpu.memory_space<vmem>>, vector<16xi32>,
        %sub3A_434 = arith.subi %while3A_404, %mul3A_431 : i32
        %eq3A_435 = vector.broadcast %sub3A_434 : i32 to vector<16xi32>
        %eq3A_436 = arith.cmpi eq, %iota3A, %eq3A_435 : vector<16xi32>
        %jit3A_437 = arith.constant 0 : i32
        %broadcast_in_dim3A_438 = vector.broadcast %jit3A_437 : i32 to vector<16xi32>
        %select_n3A_439 = arith.select %eq3A_436, %get3A_433, %broadcast_in_dim3A_438 : vector<16xi1>, vector<16xi32>
        %reduce_sum3A_440 = arith.constant true
        %reduce_sum3A_441 = vector.broadcast %reduce_sum3A_440 : i1 to vector<16xi1>
        %reduce_sum3A_442 = tpu.scan <sum>, %select_n3A_439 masked %reduce_sum3A_441 : vector<16xi32>, vector<16xi1> -> vector<16xi32>
        %reduce_sum3A_443 = vector.extract %reduce_sum3A_442[15] : i32 from vector<16xi32>
        %jit3A_444 = arith.constant 16 : i32
        %div3A_445 = arith.divsi %while3A_404, %jit3A_444 : i32
        %sign3A_446 = arith.constant 0 : i32
        %sign3A_447 = arith.cmpi sgt, %while3A_404, %sign3A_446 : i32
        %sign3A_448 = arith.extui %sign3A_447 : i1 to i32
        %sign3A_449 = arith.constant 0 : i32
        %sign3A_450 = arith.cmpi slt, %while3A_404, %sign3A_449 : i32
        %sign3A_451 = arith.extui %sign3A_450 : i1 to i32
        %sign3A_452 = arith.subi %sign3A_448, %sign3A_451 : i32
        %sign3A_453 = arith.constant 0 : i32
        %sign3A_454 = arith.cmpi sgt, %jit3A_444, %sign3A_453 : i32
        %sign3A_455 = arith.extui %sign3A_454 : i1 to i32
        %sign3A_456 = arith.constant 0 : i32
        %sign3A_457 = arith.cmpi slt, %jit3A_444, %sign3A_456 : i32
        %sign3A_458 = arith.extui %sign3A_457 : i1 to i32
        %sign3A_459 = arith.subi %sign3A_455, %sign3A_458 : i32
        %ne3A_460 = arith.cmpi ne, %sign3A_452, %sign3A_459 : i32
        %rem3A_461 = arith.remsi %while3A_404, %jit3A_444 : i32
        %ne3A_462 = arith.constant 0 : i32
        %ne3A_463 = arith.cmpi ne, %rem3A_461, %ne3A_462 : i32
        %and3A_464 = arith.andi %ne3A_460, %ne3A_463 : i1
        %sub3A_465 = arith.constant 1 : i32
        %sub3A_466 = arith.subi %div3A_445, %sub3A_465 : i32
        %select_n3A_467 = arith.select %and3A_464, %sub3A_466, %div3A_445 : i32
        %mul3A_468 = arith.constant 16 : i32
        %mul3A_469 = arith.muli %select_n3A_467, %mul3A_468 : i32
        %get3A_470 = arith.index_cast %mul3A_469 : i32 to index
        %get3A_471 = tpu.vector_load %arg13[%get3A_470] {strides = array<i32>} : memref<16384xi32, #tpu.memory_space<vmem>>, vector<16xi32>,
        %sub3A_472 = arith.subi %while3A_404, %mul3A_469 : i32
        %eq3A_473 = vector.broadcast %sub3A_472 : i32 to vector<16xi32>
        %eq3A_474 = arith.cmpi eq, %iota3A, %eq3A_473 : vector<16xi32>
        %jit3A_475 = arith.constant 0 : i32
        %broadcast_in_dim3A_476 = vector.broadcast %jit3A_475 : i32 to vector<16xi32>
        %select_n3A_477 = arith.select %eq3A_474, %get3A_471, %broadcast_in_dim3A_476 : vector<16xi1>, vector<16xi32>
        %reduce_sum3A_478 = arith.constant true
        %reduce_sum3A_479 = vector.broadcast %reduce_sum3A_478 : i1 to vector<16xi1>
        %reduce_sum3A_480 = tpu.scan <sum>, %select_n3A_477 masked %reduce_sum3A_479 : vector<16xi32>, vector<16xi1> -> vector<16xi32>
        %reduce_sum3A_481 = vector.extract %reduce_sum3A_480[15] : i32 from vector<16xi32>
        %jit3A_482 = arith.constant 32 : i32
        %eq3A_483 = arith.constant 0 : i32
        %eq3A_484 = arith.cmpi eq, %jit3A_482, %eq3A_483 : i32
        %jit3A_485 = arith.constant 1 : i32
        %select_n3A_486 = arith.select %eq3A_484, %jit3A_485, %jit3A_482 : i32
        %rem3A_487 = arith.remsi %while3A_405, %select_n3A_486 : i32
        %ne3A_488 = arith.constant 0 : i32
        %ne3A_489 = arith.cmpi ne, %rem3A_487, %ne3A_488 : i32
        %lt3A_490 = arith.constant 0 : i32
        %lt3A_491 = arith.cmpi slt, %rem3A_487, %lt3A_490 : i32
        %lt3A_492 = arith.constant 0 : i32
        %lt3A_493 = arith.cmpi slt, %select_n3A_486, %lt3A_492 : i32
        %ne3A_494 = arith.xori %lt3A_491, %lt3A_493 : i1
        %and3A_495 = arith.andi %ne3A_494, %ne3A_489 : i1
        %add3A_496 = arith.addi %rem3A_487, %select_n3A_486 : i32
        %select_n3A_497 = arith.select %and3A_495, %add3A_496, %rem3A_487 : i32
        %add3A_498 = arith.constant 0 : i32
        %add3A_499 = vector.broadcast %add3A_498 : i32 to vector<16xi32>
        %add3A_500 = arith.addi %add3A_499, %iota3A : vector<16xi32>
        %jit3A_501 = arith.constant 384 : i32
        %eq3A_502 = arith.constant 0 : i32
        %eq3A_503 = arith.cmpi eq, %jit3A_501, %eq3A_502 : i32
        %jit3A_504 = arith.constant 1 : i32
        %select_n3A_505 = arith.select %eq3A_503, %jit3A_504, %jit3A_501 : i32
        %rem3A_506 = arith.remsi %reduce_sum3A_443, %select_n3A_505 : i32
        %ne3A_507 = arith.constant 0 : i32
        %ne3A_508 = arith.cmpi ne, %rem3A_506, %ne3A_507 : i32
        %lt3A_509 = arith.constant 0 : i32
        %lt3A_510 = arith.cmpi slt, %rem3A_506, %lt3A_509 : i32
        %lt3A_511 = arith.constant 0 : i32
        %lt3A_512 = arith.cmpi slt, %select_n3A_505, %lt3A_511 : i32
        %ne3A_513 = arith.xori %lt3A_510, %lt3A_512 : i1
        %and3A_514 = arith.andi %ne3A_513, %ne3A_508 : i1
        %add3A_515 = arith.addi %rem3A_506, %select_n3A_505 : i32
        %select_n3A_516 = arith.select %and3A_514, %add3A_515, %rem3A_506 : i32
        %mul3A_517 = arith.constant 0 : i32
        %mul3A_518 = vector.broadcast %mul3A_517 : i32 to vector<16xi32>
        %mul3A_519 = arith.muli %iota3A, %mul3A_518 : vector<16xi32>
        %add3A_520 = vector.broadcast %select_n3A_516 : i32 to vector<16xi32>
        %add3A_521 = arith.addi %add3A_520, %mul3A_519 : vector<16xi32>
        %gather3A = tpu.vector_load_idx %arg15[%add3A_402, %add3A_500, %add3A_521] : memref<3x64x384xf32, #tpu.memory_space<vmem>>[vector<16xi32>, vector<16xi32>, vector<16xi32>], vector<16xf32>,
        %swap3A = arith.index_cast %select_n3A_497 : i32 to index
        %swap3A_522 = arith.constant 0 : index
        %swap3A_523 = tpu.vector_load %arg17[%swap3A, %swap3A_522] {strides = array<i32>} : memref<32x64xf32, #tpu.memory_space<vmem>>, vector<16xf32>,
        tpu.vector_store %arg17[%swap3A, %swap3A_522], %gather3A {strides = array<i32>} : memref<32x64xf32, #tpu.memory_space<vmem>>, vector<16xf32>,
        %add3A_524 = arith.constant 16 : i32
        %add3A_525 = vector.broadcast %add3A_524 : i32 to vector<16xi32>
        %add3A_526 = arith.addi %add3A_525, %iota3A : vector<16xi32>
        %jit3A_527 = arith.constant 384 : i32
        %eq3A_528 = arith.constant 0 : i32
        %eq3A_529 = arith.cmpi eq, %jit3A_527, %eq3A_528 : i32
        %jit3A_530 = arith.constant 1 : i32
        %select_n3A_531 = arith.select %eq3A_529, %jit3A_530, %jit3A_527 : i32
        %rem3A_532 = arith.remsi %reduce_sum3A_443, %select_n3A_531 : i32
        %ne3A_533 = arith.constant 0 : i32
        %ne3A_534 = arith.cmpi ne, %rem3A_532, %ne3A_533 : i32
        %lt3A_535 = arith.constant 0 : i32
        %lt3A_536 = arith.cmpi slt, %rem3A_532, %lt3A_535 : i32
        %lt3A_537 = arith.constant 0 : i32
        %lt3A_538 = arith.cmpi slt, %select_n3A_531, %lt3A_537 : i32
        %ne3A_539 = arith.xori %lt3A_536, %lt3A_538 : i1
        %and3A_540 = arith.andi %ne3A_539, %ne3A_534 : i1
        %add3A_541 = arith.addi %rem3A_532, %select_n3A_531 : i32
        %select_n3A_542 = arith.select %and3A_540, %add3A_541, %rem3A_532 : i32
        %mul3A_543 = arith.constant 0 : i32
        %mul3A_544 = vector.broadcast %mul3A_543 : i32 to vector<16xi32>
        %mul3A_545 = arith.muli %iota3A, %mul3A_544 : vector<16xi32>
        %add3A_546 = vector.broadcast %select_n3A_542 : i32 to vector<16xi32>
        %add3A_547 = arith.addi %add3A_546, %mul3A_545 : vector<16xi32>
        %gather3A_548 = tpu.vector_load_idx %arg15[%add3A_402, %add3A_526, %add3A_547] : memref<3x64x384xf32, #tpu.memory_space<vmem>>[vector<16xi32>, vector<16xi32>, vector<16xi32>], vector<16xf32>,
        %swap3A_549 = arith.index_cast %select_n3A_497 : i32 to index
        %swap3A_550 = arith.constant 16 : index
        %swap3A_551 = tpu.vector_load %arg17[%swap3A_549, %swap3A_550] {strides = array<i32>} : memref<32x64xf32, #tpu.memory_space<vmem>>, vector<16xf32>,
        tpu.vector_store %arg17[%swap3A_549, %swap3A_550], %gather3A_548 {strides = array<i32>} : memref<32x64xf32, #tpu.memory_space<vmem>>, vector<16xf32>,
        %add3A_552 = arith.constant 32 : i32
        %add3A_553 = vector.broadcast %add3A_552 : i32 to vector<16xi32>
        %add3A_554 = arith.addi %add3A_553, %iota3A : vector<16xi32>
        %jit3A_555 = arith.constant 384 : i32
        %eq3A_556 = arith.constant 0 : i32
        %eq3A_557 = arith.cmpi eq, %jit3A_555, %eq3A_556 : i32
        %jit3A_558 = arith.constant 1 : i32
        %select_n3A_559 = arith.select %eq3A_557, %jit3A_558, %jit3A_555 : i32
        %rem3A_560 = arith.remsi %reduce_sum3A_443, %select_n3A_559 : i32
        %ne3A_561 = arith.constant 0 : i32
        %ne3A_562 = arith.cmpi ne, %rem3A_560, %ne3A_561 : i32
        %lt3A_563 = arith.constant 0 : i32
        %lt3A_564 = arith.cmpi slt, %rem3A_560, %lt3A_563 : i32
        %lt3A_565 = arith.constant 0 : i32
        %lt3A_566 = arith.cmpi slt, %select_n3A_559, %lt3A_565 : i32
        %ne3A_567 = arith.xori %lt3A_564, %lt3A_566 : i1
        %and3A_568 = arith.andi %ne3A_567, %ne3A_562 : i1
        %add3A_569 = arith.addi %rem3A_560, %select_n3A_559 : i32
        %select_n3A_570 = arith.select %and3A_568, %add3A_569, %rem3A_560 : i32
        %mul3A_571 = arith.constant 0 : i32
        %mul3A_572 = vector.broadcast %mul3A_571 : i32 to vector<16xi32>
        %mul3A_573 = arith.muli %iota3A, %mul3A_572 : vector<16xi32>
        %add3A_574 = vector.broadcast %select_n3A_570 : i32 to vector<16xi32>
        %add3A_575 = arith.addi %add3A_574, %mul3A_573 : vector<16xi32>
        %gather3A_576 = tpu.vector_load_idx %arg15[%add3A_402, %add3A_554, %add3A_575] : memref<3x64x384xf32, #tpu.memory_space<vmem>>[vector<16xi32>, vector<16xi32>, vector<16xi32>], vector<16xf32>,
        %swap3A_577 = arith.index_cast %select_n3A_497 : i32 to index
        %swap3A_578 = arith.constant 32 : index
        %swap3A_579 = tpu.vector_load %arg17[%swap3A_577, %swap3A_578] {strides = array<i32>} : memref<32x64xf32, #tpu.memory_space<vmem>>, vector<16xf32>,
        tpu.vector_store %arg17[%swap3A_577, %swap3A_578], %gather3A_576 {strides = array<i32>} : memref<32x64xf32, #tpu.memory_space<vmem>>, vector<16xf32>,
        %add3A_580 = arith.constant 48 : i32
        %add3A_581 = vector.broadcast %add3A_580 : i32 to vector<16xi32>
        %add3A_582 = arith.addi %add3A_581, %iota3A : vector<16xi32>
        %jit3A_583 = arith.constant 384 : i32
        %eq3A_584 = arith.constant 0 : i32
        %eq3A_585 = arith.cmpi eq, %jit3A_583, %eq3A_584 : i32
        %jit3A_586 = arith.constant 1 : i32
        %select_n3A_587 = arith.select %eq3A_585, %jit3A_586, %jit3A_583 : i32
        %rem3A_588 = arith.remsi %reduce_sum3A_443, %select_n3A_587 : i32
        %ne3A_589 = arith.constant 0 : i32
        %ne3A_590 = arith.cmpi ne, %rem3A_588, %ne3A_589 : i32
        %lt3A_591 = arith.constant 0 : i32
        %lt3A_592 = arith.cmpi slt, %rem3A_588, %lt3A_591 : i32
        %lt3A_593 = arith.constant 0 : i32
        %lt3A_594 = arith.cmpi slt, %select_n3A_587, %lt3A_593 : i32
        %ne3A_595 = arith.xori %lt3A_592, %lt3A_594 : i1
        %and3A_596 = arith.andi %ne3A_595, %ne3A_590 : i1
        %add3A_597 = arith.addi %rem3A_588, %select_n3A_587 : i32
        %select_n3A_598 = arith.select %and3A_596, %add3A_597, %rem3A_588 : i32
        %mul3A_599 = arith.constant 0 : i32
        %mul3A_600 = vector.broadcast %mul3A_599 : i32 to vector<16xi32>
        %mul3A_601 = arith.muli %iota3A, %mul3A_600 : vector<16xi32>
        %add3A_602 = vector.broadcast %select_n3A_598 : i32 to vector<16xi32>
        %add3A_603 = arith.addi %add3A_602, %mul3A_601 : vector<16xi32>
        %gather3A_604 = tpu.vector_load_idx %arg15[%add3A_402, %add3A_582, %add3A_603] : memref<3x64x384xf32, #tpu.memory_space<vmem>>[vector<16xi32>, vector<16xi32>, vector<16xi32>], vector<16xf32>,
        %swap3A_605 = arith.index_cast %select_n3A_497 : i32 to index
        %swap3A_606 = arith.constant 48 : index
        %swap3A_607 = tpu.vector_load %arg17[%swap3A_605, %swap3A_606] {strides = array<i32>} : memref<32x64xf32, #tpu.memory_space<vmem>>, vector<16xf32>,
        tpu.vector_store %arg17[%swap3A_605, %swap3A_606], %gather3A_604 {strides = array<i32>} : memref<32x64xf32, #tpu.memory_space<vmem>>, vector<16xf32>,
        %dma_start3A_608 = arith.constant 0 : i32
        %dma_start3A_609 = tpu.memref_slice %arg17[%select_n3A_497, %dma_start3A_608] : memref<32x64xf32, #tpu.memory_space<vmem>> -> memref<1x64xf32, #tpu.memory_space<vmem>>
        %dma_start3A_610 = arith.constant 0 : i32
        %dma_start3A_611 = tpu.memref_slice %arg10[%reduce_sum3A_481, %dma_start3A_610] : memref<16384x64xf32, #tpu.memory_space<hbm>> -> memref<1x64xf32, #tpu.memory_space<hbm>>
        %dma_start3A_612 = arith.constant 0 : i32
        %dma_start3A_613 = tpu.memref_slice %arg10[%reduce_sum3A_481, %dma_start3A_612] : memref<16384x64xf32, #tpu.memory_space<hbm>> -> memref<1x64xf32, #tpu.memory_space<hbm>>
        %dma_start3A_614 = arith.constant 0 : i32
        %dma_start3A_615 = tpu.memref_slice %arg17[%select_n3A_497, %dma_start3A_614] : memref<32x64xf32, #tpu.memory_space<vmem>> -> memref<1x64xf32, #tpu.memory_space<vmem>>
        tpu.enqueue_dma source(%dma_start3A_615 : memref<1x64xf32, #tpu.memory_space<vmem>>) target(%dma_start3A_613 : memref<1x64xf32, #tpu.memory_space<hbm>>) target_semaphore(%arg19 : memref<!tpu.dma_semaphore, #tpu.memory_space<semaphore_mem>>)
        %add3A_616 = arith.constant 1 : i32
        %add3A_617 = arith.addi %while3A_405, %add3A_616 : i32
        %gt3A = arith.constant 24 : i32
        %gt3A_618 = arith.cmpi sgt, %add3A_617, %gt3A : i32
        %convert_element_type3A_619 = arith.extui %gt3A_618 : i1 to i32
        %cond3A_620 = arith.constant 0 : i32
        %cond3A_621 = arith.cmpi ne, %convert_element_type3A_619, %cond3A_620 : i32
        scf.if %cond3A_621 {
          %dma_wait3A_624 = arith.constant 0 : i32
          %dma_wait3A_625 = arith.constant 0 : i32
          %dma_wait3A_626 = tpu.memref_slice %arg17[%dma_wait3A_624, %dma_wait3A_625] : memref<32x64xf32, #tpu.memory_space<vmem>> -> memref<1x64xf32, #tpu.memory_space<vmem>>
          %dma_wait3A_627 = arith.constant 0 : i32
          %dma_wait3A_628 = arith.constant 0 : i32
          %dma_wait3A_629 = tpu.memref_slice %arg10[%dma_wait3A_627, %dma_wait3A_628] : memref<16384x64xf32, #tpu.memory_space<hbm>> -> memref<1x64xf32, #tpu.memory_space<hbm>>
          %dma_wait3A_630 = arith.constant 0 : i32
          %dma_wait3A_631 = arith.constant 0 : i32
          %dma_wait3A_632 = tpu.memref_slice %arg17[%dma_wait3A_630, %dma_wait3A_631] : memref<32x64xf32, #tpu.memory_space<vmem>> -> memref<1x64xf32, #tpu.memory_space<vmem>>
          %dma_wait3A_633 = arith.constant 0 : i32
          %dma_wait3A_634 = arith.constant 0 : i32
          %dma_wait3A_635 = tpu.memref_slice %arg10[%dma_wait3A_633, %dma_wait3A_634] : memref<16384x64xf32, #tpu.memory_space<hbm>> -> memref<1x64xf32, #tpu.memory_space<hbm>>
          tpu.wait_dma2 semaphore(%arg19 : memref<!tpu.dma_semaphore, #tpu.memory_space<semaphore_mem>>) src(%dma_wait3A_635 : memref<1x64xf32, #tpu.memory_space<hbm>>) dst(%dma_wait3A_632 : memref<1x64xf32, #tpu.memory_space<vmem>>)
        } else {
        }
        %add3A_622 = arith.constant 1 : i32
        %add3A_623 = arith.addi %while3A_404, %add3A_622 : i32
        scf.yield %add3A_623, %add3A_617 : i32, i32
      }
      scf.yield %while3A_403#0, %while3A_403#1 : i32, i32
    }
    %scan3A_112 = arith.constant 82 : i32
    %dma_wait3A = arith.constant 0 : i32
    %dma_wait3A_113 = arith.constant 0 : i32
    %dma_wait3A_114 = arith.constant 0 : i32
    %dma_wait3A_115 = tpu.memref_slice %arg15[%dma_wait3A, %dma_wait3A_113, %dma_wait3A_114] : memref<3x64x384xf32, #tpu.memory_space<vmem>> -> memref<1x64x384xf32, #tpu.memory_space<vmem>>
    %dma_wait3A_116 = tpu.memref_squeeze %dma_wait3A_115 : memref<1x64x384xf32, #tpu.memory_space<vmem>> -> memref<64x384xf32, #tpu.memory_space<vmem>>
    %dma_wait3A_117 = arith.constant 0 : i32
    %dma_wait3A_118 = arith.constant 0 : i32
    %dma_wait3A_119 = tpu.memref_slice %arg8[%dma_wait3A_117, %dma_wait3A_118] : memref<64x1000000xf32, #tpu.memory_space<hbm>> -> memref<64x384xf32, #tpu.memory_space<hbm>>
    %dma_wait3A_120 = arith.constant 0 : i32
    %dma_wait3A_121 = arith.constant 0 : i32
    %dma_wait3A_122 = tpu.memref_slice %arg15[%dma_wait3A, %dma_wait3A_120, %dma_wait3A_121] : memref<3x64x384xf32, #tpu.memory_space<vmem>> -> memref<1x64x384xf32, #tpu.memory_space<vmem>>
    %dma_wait3A_123 = tpu.memref_squeeze %dma_wait3A_122 : memref<1x64x384xf32, #tpu.memory_space<vmem>> -> memref<64x384xf32, #tpu.memory_space<vmem>>
    %dma_wait3A_124 = arith.constant 0 : i32
    %dma_wait3A_125 = arith.constant 0 : i32
    %dma_wait3A_126 = tpu.memref_slice %arg8[%dma_wait3A_124, %dma_wait3A_125] : memref<64x1000000xf32, #tpu.memory_space<hbm>> -> memref<64x384xf32, #tpu.memory_space<hbm>>
    tpu.wait_dma2 semaphore(%arg18 : memref<!tpu.dma_semaphore, #tpu.memory_space<semaphore_mem>>) src(%dma_wait3A_126 : memref<64x384xf32, #tpu.memory_space<hbm>>) dst(%dma_wait3A_123 : memref<64x384xf32, #tpu.memory_space<vmem>>)
    %dma_wait3A_127 = arith.constant 0 : i32
    %dma_wait3A_128 = arith.constant 0 : i32
    %dma_wait3A_129 = arith.constant 0 : i32
    %dma_wait3A_130 = tpu.memref_slice %arg15[%dma_wait3A_127, %dma_wait3A_128, %dma_wait3A_129] : memref<3x64x384xf32, #tpu.memory_space<vmem>> -> memref<1x64x384xf32, #tpu.memory_space<vmem>>
    %dma_wait3A_131 = tpu.memref_squeeze %dma_wait3A_130 : memref<1x64x384xf32, #tpu.memory_space<vmem>> -> memref<64x384xf32, #tpu.memory_space<vmem>>
    %dma_wait3A_132 = arith.constant 0 : i32
    %dma_wait3A_133 = arith.constant 0 : i32
    %dma_wait3A_134 = tpu.memref_slice %arg8[%dma_wait3A_132, %dma_wait3A_133] : memref<64x1000000xf32, #tpu.memory_space<hbm>> -> memref<64x384xf32, #tpu.memory_space<hbm>>
    %dma_wait3A_135 = arith.constant 0 : i32
    %dma_wait3A_136 = arith.constant 0 : i32
    %dma_wait3A_137 = tpu.memref_slice %arg15[%dma_wait3A_127, %dma_wait3A_135, %dma_wait3A_136] : memref<3x64x384xf32, #tpu.memory_space<vmem>> -> memref<1x64x384xf32, #tpu.memory_space<vmem>>
    %dma_wait3A_138 = tpu.memref_squeeze %dma_wait3A_137 : memref<1x64x384xf32, #tpu.memory_space<vmem>> -> memref<64x384xf32, #tpu.memory_space<vmem>>
    %dma_wait3A_139 = arith.constant 0 : i32
    %dma_wait3A_140 = arith.constant 0 : i32
    %dma_wait3A_141 = tpu.memref_slice %arg8[%dma_wait3A_139, %dma_wait3A_140] : memref<64x1000000xf32, #tpu.memory_space<hbm>> -> memref<64x384xf32, #tpu.memory_space<hbm>>
    tpu.wait_dma2 semaphore(%arg18 : memref<!tpu.dma_semaphore, #tpu.memory_space<semaphore_mem>>) src(%dma_wait3A_141 : memref<64x384xf32, #tpu.memory_space<hbm>>) dst(%dma_wait3A_138 : memref<64x384xf32, #tpu.memory_space<vmem>>)
    %eq3A_142 = arith.constant 31 : i32
    %eq3A_143 = arith.cmpi eq, %add3A, %eq3A_142 : i32
    %convert_element_type3A = arith.extui %eq3A_143 : i1 to i32
    %cond3A = arith.constant 0 : i32
    %cond3A_144 = arith.cmpi ne, %convert_element_type3A, %cond3A : i32
    scf.if %cond3A_144 {
      "tpu.region"() ({
        %run_scoped3A = tpu.sem_alloc : memref<!tpu.dma_semaphore, #tpu.memory_space<semaphore_mem>>
        %dma_start3A_319 = arith.constant 0 : i32
        %dma_start3A_320 = arith.constant 999936 : i32
        %dma_start3A_321 = tpu.memref_slice %arg8[%dma_start3A_319, %dma_start3A_320] : memref<64x1000000xf32, #tpu.memory_space<hbm>> -> memref<64x64xf32, #tpu.memory_space<hbm>>
        %dma_start3A_322 = arith.constant 0 : i32
        %dma_start3A_323 = arith.constant 999936 : i32
        %dma_start3A_324 = tpu.memref_slice %arg8[%dma_start3A_322, %dma_start3A_323] : memref<64x1000000xf32, #tpu.memory_space<hbm>> -> memref<64x64xf32, #tpu.memory_space<hbm>>
        tpu.enqueue_dma source(%dma_start3A_324 : memref<64x64xf32, #tpu.memory_space<hbm>>) target(%arg16 : memref<64x64xf32, #tpu.memory_space<vmem>>) target_semaphore(%run_scoped3A : memref<!tpu.dma_semaphore, #tpu.memory_space<semaphore_mem>>)
        %dma_wait3A_325 = arith.constant 0 : i32
        %dma_wait3A_326 = arith.constant 999936 : i32
        %dma_wait3A_327 = tpu.memref_slice %arg8[%dma_wait3A_325, %dma_wait3A_326] : memref<64x1000000xf32, #tpu.memory_space<hbm>> -> memref<64x64xf32, #tpu.memory_space<hbm>>
        %dma_wait3A_328 = arith.constant 0 : i32
        %dma_wait3A_329 = arith.constant 999936 : i32
        %dma_wait3A_330 = tpu.memref_slice %arg8[%dma_wait3A_328, %dma_wait3A_329] : memref<64x1000000xf32, #tpu.memory_space<hbm>> -> memref<64x64xf32, #tpu.memory_space<hbm>>
        tpu.wait_dma2 semaphore(%run_scoped3A : memref<!tpu.dma_semaphore, #tpu.memory_space<semaphore_mem>>) src(%dma_wait3A_330 : memref<64x64xf32, #tpu.memory_space<hbm>>) dst(%arg16 : memref<64x64xf32, #tpu.memory_space<vmem>>)
        tpu.yield
      }) : () -> ()
    } else {
    }
    %while3A:2 = scf.while (%while3A_319 = %scan3A_111#0, %while3A_320 = %scan3A_111#1) : (i32, i32) -> (i32, i32) {
      %lt3A = arith.cmpi slt, %while3A_319, %reduce_sum3A_28 : i32
      scf.condition(%lt3A) %while3A_319, %while3A_320 : i32, i32
    } do {
    ^bb0(%while3A_319: i32, %while3A_320: i32):
      %jit3A_321 = arith.constant 16 : i32
      %div3A_322 = arith.divsi %while3A_319, %jit3A_321 : i32
      %sign3A_323 = arith.constant 0 : i32
      %sign3A_324 = arith.cmpi sgt, %while3A_319, %sign3A_323 : i32
      %sign3A_325 = arith.extui %sign3A_324 : i1 to i32
      %sign3A_326 = arith.constant 0 : i32
      %sign3A_327 = arith.cmpi slt, %while3A_319, %sign3A_326 : i32
      %sign3A_328 = arith.extui %sign3A_327 : i1 to i32
      %sign3A_329 = arith.subi %sign3A_325, %sign3A_328 : i32
      %sign3A_330 = arith.constant 0 : i32
      %sign3A_331 = arith.cmpi sgt, %jit3A_321, %sign3A_330 : i32
      %sign3A_332 = arith.extui %sign3A_331 : i1 to i32
      %sign3A_333 = arith.constant 0 : i32
      %sign3A_334 = arith.cmpi slt, %jit3A_321, %sign3A_333 : i32
      %sign3A_335 = arith.extui %sign3A_334 : i1 to i32
      %sign3A_336 = arith.subi %sign3A_332, %sign3A_335 : i32
      %ne3A_337 = arith.cmpi ne, %sign3A_329, %sign3A_336 : i32
      %rem3A_338 = arith.remsi %while3A_319, %jit3A_321 : i32
      %ne3A_339 = arith.constant 0 : i32
      %ne3A_340 = arith.cmpi ne, %rem3A_338, %ne3A_339 : i32
      %and3A_341 = arith.andi %ne3A_337, %ne3A_340 : i1
      %sub3A_342 = arith.constant 1 : i32
      %sub3A_343 = arith.subi %div3A_322, %sub3A_342 : i32
      %select_n3A_344 = arith.select %and3A_341, %sub3A_343, %div3A_322 : i32
      %mul3A_345 = arith.constant 16 : i32
      %mul3A_346 = arith.muli %select_n3A_344, %mul3A_345 : i32
      %get3A_347 = arith.index_cast %mul3A_346 : i32 to index
      %get3A_348 = tpu.vector_load %arg12[%get3A_347] {strides = array<i32>} : memref<16384xi32, #tpu.memory_space<vmem>>, vector<16xi32>,
      %sub3A_349 = arith.subi %while3A_319, %mul3A_346 : i32
      %eq3A_350 = vector.broadcast %sub3A_349 : i32 to vector<16xi32>
      %eq3A_351 = arith.cmpi eq, %iota3A, %eq3A_350 : vector<16xi32>
      %jit3A_352 = arith.constant 0 : i32
      %broadcast_in_dim3A_353 = vector.broadcast %jit3A_352 : i32 to vector<16xi32>
      %select_n3A_354 = arith.select %eq3A_351, %get3A_348, %broadcast_in_dim3A_353 : vector<16xi1>, vector<16xi32>
      %reduce_sum3A_355 = arith.constant true
      %reduce_sum3A_356 = vector.broadcast %reduce_sum3A_355 : i1 to vector<16xi1>
      %reduce_sum3A_357 = tpu.scan <sum>, %select_n3A_354 masked %reduce_sum3A_356 : vector<16xi32>, vector<16xi1> -> vector<16xi32>
      %reduce_sum3A_358 = vector.extract %reduce_sum3A_357[15] : i32 from vector<16xi32>
      %jit3A_359 = arith.constant 16 : i32
      %div3A_360 = arith.divsi %while3A_319, %jit3A_359 : i32
      %sign3A_361 = arith.constant 0 : i32
      %sign3A_362 = arith.cmpi sgt, %while3A_319, %sign3A_361 : i32
      %sign3A_363 = arith.extui %sign3A_362 : i1 to i32
      %sign3A_364 = arith.constant 0 : i32
      %sign3A_365 = arith.cmpi slt, %while3A_319, %sign3A_364 : i32
      %sign3A_366 = arith.extui %sign3A_365 : i1 to i32
      %sign3A_367 = arith.subi %sign3A_363, %sign3A_366 : i32
      %sign3A_368 = arith.constant 0 : i32
      %sign3A_369 = arith.cmpi sgt, %jit3A_359, %sign3A_368 : i32
      %sign3A_370 = arith.extui %sign3A_369 : i1 to i32
      %sign3A_371 = arith.constant 0 : i32
      %sign3A_372 = arith.cmpi slt, %jit3A_359, %sign3A_371 : i32
      %sign3A_373 = arith.extui %sign3A_372 : i1 to i32
      %sign3A_374 = arith.subi %sign3A_370, %sign3A_373 : i32
      %ne3A_375 = arith.cmpi ne, %sign3A_367, %sign3A_374 : i32
      %rem3A_376 = arith.remsi %while3A_319, %jit3A_359 : i32
      %ne3A_377 = arith.constant 0 : i32
      %ne3A_378 = arith.cmpi ne, %rem3A_376, %ne3A_377 : i32
      %and3A_379 = arith.andi %ne3A_375, %ne3A_378 : i1
      %sub3A_380 = arith.constant 1 : i32
      %sub3A_381 = arith.subi %div3A_360, %sub3A_380 : i32
      %select_n3A_382 = arith.select %and3A_379, %sub3A_381, %div3A_360 : i32
      %mul3A_383 = arith.constant 16 : i32
      %mul3A_384 = arith.muli %select_n3A_382, %mul3A_383 : i32
      %get3A_385 = arith.index_cast %mul3A_384 : i32 to index
      %get3A_386 = tpu.vector_load %arg13[%get3A_385] {strides = array<i32>} : memref<16384xi32, #tpu.memory_space<vmem>>, vector<16xi32>,
      %sub3A_387 = arith.subi %while3A_319, %mul3A_384 : i32
      %eq3A_388 = vector.broadcast %sub3A_387 : i32 to vector<16xi32>
      %eq3A_389 = arith.cmpi eq, %iota3A, %eq3A_388 : vector<16xi32>
      %jit3A_390 = arith.constant 0 : i32
      %broadcast_in_dim3A_391 = vector.broadcast %jit3A_390 : i32 to vector<16xi32>
      %select_n3A_392 = arith.select %eq3A_389, %get3A_386, %broadcast_in_dim3A_391 : vector<16xi1>, vector<16xi32>
      %reduce_sum3A_393 = arith.constant true
      %reduce_sum3A_394 = vector.broadcast %reduce_sum3A_393 : i1 to vector<16xi1>
      %reduce_sum3A_395 = tpu.scan <sum>, %select_n3A_392 masked %reduce_sum3A_394 : vector<16xi32>, vector<16xi1> -> vector<16xi32>
      %reduce_sum3A_396 = vector.extract %reduce_sum3A_395[15] : i32 from vector<16xi32>
      %jit3A_397 = arith.constant 32 : i32
      %eq3A_398 = arith.constant 0 : i32
      %eq3A_399 = arith.cmpi eq, %jit3A_397, %eq3A_398 : i32
      %jit3A_400 = arith.constant 1 : i32
      %select_n3A_401 = arith.select %eq3A_399, %jit3A_400, %jit3A_397 : i32
      %rem3A_402 = arith.remsi %while3A_320, %select_n3A_401 : i32
      %ne3A_403 = arith.constant 0 : i32
      %ne3A_404 = arith.cmpi ne, %rem3A_402, %ne3A_403 : i32
      %lt3A = arith.constant 0 : i32
      %lt3A_405 = arith.cmpi slt, %rem3A_402, %lt3A : i32
      %lt3A_406 = arith.constant 0 : i32
      %lt3A_407 = arith.cmpi slt, %select_n3A_401, %lt3A_406 : i32
      %ne3A_408 = arith.xori %lt3A_405, %lt3A_407 : i1
      %and3A_409 = arith.andi %ne3A_408, %ne3A_404 : i1
      %add3A_410 = arith.addi %rem3A_402, %select_n3A_401 : i32
      %select_n3A_411 = arith.select %and3A_409, %add3A_410, %rem3A_402 : i32
      %add3A_412 = arith.constant 0 : i32
      %add3A_413 = vector.broadcast %add3A_412 : i32 to vector<16xi32>
      %add3A_414 = arith.addi %add3A_413, %iota3A : vector<16xi32>
      %sub3A_415 = arith.constant 999936 : i32
      %sub3A_416 = arith.subi %reduce_sum3A_358, %sub3A_415 : i32
      %mul3A_417 = arith.constant 0 : i32
      %mul3A_418 = vector.broadcast %mul3A_417 : i32 to vector<16xi32>
      %mul3A_419 = arith.muli %iota3A, %mul3A_418 : vector<16xi32>
      %add3A_420 = vector.broadcast %sub3A_416 : i32 to vector<16xi32>
      %add3A_421 = arith.addi %add3A_420, %mul3A_419 : vector<16xi32>
      %gather3A = tpu.vector_load_idx %arg16[%add3A_414, %add3A_421] : memref<64x64xf32, #tpu.memory_space<vmem>>[vector<16xi32>, vector<16xi32>], vector<16xf32>,
      %swap3A = arith.index_cast %select_n3A_411 : i32 to index
      %swap3A_422 = arith.constant 0 : index
      %swap3A_423 = tpu.vector_load %arg17[%swap3A, %swap3A_422] {strides = array<i32>} : memref<32x64xf32, #tpu.memory_space<vmem>>, vector<16xf32>,
      tpu.vector_store %arg17[%swap3A, %swap3A_422], %gather3A {strides = array<i32>} : memref<32x64xf32, #tpu.memory_space<vmem>>, vector<16xf32>,
      %add3A_424 = arith.constant 16 : i32
      %add3A_425 = vector.broadcast %add3A_424 : i32 to vector<16xi32>
      %add3A_426 = arith.addi %add3A_425, %iota3A : vector<16xi32>
      %sub3A_427 = arith.constant 999936 : i32
      %sub3A_428 = arith.subi %reduce_sum3A_358, %sub3A_427 : i32
      %mul3A_429 = arith.constant 0 : i32
      %mul3A_430 = vector.broadcast %mul3A_429 : i32 to vector<16xi32>
      %mul3A_431 = arith.muli %iota3A, %mul3A_430 : vector<16xi32>
      %add3A_432 = vector.broadcast %sub3A_428 : i32 to vector<16xi32>
      %add3A_433 = arith.addi %add3A_432, %mul3A_431 : vector<16xi32>
      %gather3A_434 = tpu.vector_load_idx %arg16[%add3A_426, %add3A_433] : memref<64x64xf32, #tpu.memory_space<vmem>>[vector<16xi32>, vector<16xi32>], vector<16xf32>,
      %swap3A_435 = arith.index_cast %select_n3A_411 : i32 to index
      %swap3A_436 = arith.constant 16 : index
      %swap3A_437 = tpu.vector_load %arg17[%swap3A_435, %swap3A_436] {strides = array<i32>} : memref<32x64xf32, #tpu.memory_space<vmem>>, vector<16xf32>,
      tpu.vector_store %arg17[%swap3A_435, %swap3A_436], %gather3A_434 {strides = array<i32>} : memref<32x64xf32, #tpu.memory_space<vmem>>, vector<16xf32>,
      %add3A_438 = arith.constant 32 : i32
      %add3A_439 = vector.broadcast %add3A_438 : i32 to vector<16xi32>
      %add3A_440 = arith.addi %add3A_439, %iota3A : vector<16xi32>
      %sub3A_441 = arith.constant 999936 : i32
      %sub3A_442 = arith.subi %reduce_sum3A_358, %sub3A_441 : i32
      %mul3A_443 = arith.constant 0 : i32
      %mul3A_444 = vector.broadcast %mul3A_443 : i32 to vector<16xi32>
      %mul3A_445 = arith.muli %iota3A, %mul3A_444 : vector<16xi32>
      %add3A_446 = vector.broadcast %sub3A_442 : i32 to vector<16xi32>
      %add3A_447 = arith.addi %add3A_446, %mul3A_445 : vector<16xi32>
      %gather3A_448 = tpu.vector_load_idx %arg16[%add3A_440, %add3A_447] : memref<64x64xf32, #tpu.memory_space<vmem>>[vector<16xi32>, vector<16xi32>], vector<16xf32>,
      %swap3A_449 = arith.index_cast %select_n3A_411 : i32 to index
      %swap3A_450 = arith.constant 32 : index
      %swap3A_451 = tpu.vector_load %arg17[%swap3A_449, %swap3A_450] {strides = array<i32>} : memref<32x64xf32, #tpu.memory_space<vmem>>, vector<16xf32>,
      tpu.vector_store %arg17[%swap3A_449, %swap3A_450], %gather3A_448 {strides = array<i32>} : memref<32x64xf32, #tpu.memory_space<vmem>>, vector<16xf32>,
      %add3A_452 = arith.constant 48 : i32
      %add3A_453 = vector.broadcast %add3A_452 : i32 to vector<16xi32>
      %add3A_454 = arith.addi %add3A_453, %iota3A : vector<16xi32>
      %sub3A_455 = arith.constant 999936 : i32
      %sub3A_456 = arith.subi %reduce_sum3A_358, %sub3A_455 : i32
      %mul3A_457 = arith.constant 0 : i32
      %mul3A_458 = vector.broadcast %mul3A_457 : i32 to vector<16xi32>
      %mul3A_459 = arith.muli %iota3A, %mul3A_458 : vector<16xi32>
      %add3A_460 = vector.broadcast %sub3A_456 : i32 to vector<16xi32>
      %add3A_461 = arith.addi %add3A_460, %mul3A_459 : vector<16xi32>
      %gather3A_462 = tpu.vector_load_idx %arg16[%add3A_454, %add3A_461] : memref<64x64xf32, #tpu.memory_space<vmem>>[vector<16xi32>, vector<16xi32>], vector<16xf32>,
      %swap3A_463 = arith.index_cast %select_n3A_411 : i32 to index
      %swap3A_464 = arith.constant 48 : index
      %swap3A_465 = tpu.vector_load %arg17[%swap3A_463, %swap3A_464] {strides = array<i32>} : memref<32x64xf32, #tpu.memory_space<vmem>>, vector<16xf32>,
      tpu.vector_store %arg17[%swap3A_463, %swap3A_464], %gather3A_462 {strides = array<i32>} : memref<32x64xf32, #tpu.memory_space<vmem>>, vector<16xf32>,
      %dma_start3A_466 = arith.constant 0 : i32
      %dma_start3A_467 = tpu.memref_slice %arg17[%select_n3A_411, %dma_start3A_466] : memref<32x64xf32, #tpu.memory_space<vmem>> -> memref<1x64xf32, #tpu.memory_space<vmem>>
      %dma_start3A_468 = arith.constant 0 : i32
      %dma_start3A_469 = tpu.memref_slice %arg10[%reduce_sum3A_396, %dma_start3A_468] : memref<16384x64xf32, #tpu.memory_space<hbm>> -> memref<1x64xf32, #tpu.memory_space<hbm>>
      %dma_start3A_470 = arith.constant 0 : i32
      %dma_start3A_471 = tpu.memref_slice %arg10[%reduce_sum3A_396, %dma_start3A_470] : memref<16384x64xf32, #tpu.memory_space<hbm>> -> memref<1x64xf32, #tpu.memory_space<hbm>>
      %dma_start3A_472 = arith.constant 0 : i32
      %dma_start3A_473 = tpu.memref_slice %arg17[%select_n3A_411, %dma_start3A_472] : memref<32x64xf32, #tpu.memory_space<vmem>> -> memref<1x64xf32, #tpu.memory_space<vmem>>
      tpu.enqueue_dma source(%dma_start3A_473 : memref<1x64xf32, #tpu.memory_space<vmem>>) target(%dma_start3A_471 : memref<1x64xf32, #tpu.memory_space<hbm>>) target_semaphore(%arg19 : memref<!tpu.dma_semaphore, #tpu.memory_space<semaphore_mem>>)
      %add3A_474 = arith.constant 1 : i32
      %add3A_475 = arith.addi %while3A_320, %add3A_474 : i32
      %gt3A = arith.constant 24 : i32
      %gt3A_476 = arith.cmpi sgt, %add3A_475, %gt3A : i32
      %convert_element_type3A_477 = arith.extui %gt3A_476 : i1 to i32
      %cond3A_478 = arith.constant 0 : i32
      %cond3A_479 = arith.cmpi ne, %convert_element_type3A_477, %cond3A_478 : i32
      scf.if %cond3A_479 {
        %dma_wait3A_482 = arith.constant 0 : i32
        %dma_wait3A_483 = arith.constant 0 : i32
        %dma_wait3A_484 = tpu.memref_slice %arg17[%dma_wait3A_482, %dma_wait3A_483] : memref<32x64xf32, #tpu.memory_space<vmem>> -> memref<1x64xf32, #tpu.memory_space<vmem>>
        %dma_wait3A_485 = arith.constant 0 : i32
        %dma_wait3A_486 = arith.constant 0 : i32
        %dma_wait3A_487 = tpu.memref_slice %arg10[%dma_wait3A_485, %dma_wait3A_486] : memref<16384x64xf32, #tpu.memory_space<hbm>> -> memref<1x64xf32, #tpu.memory_space<hbm>>
        %dma_wait3A_488 = arith.constant 0 : i32
        %dma_wait3A_489 = arith.constant 0 : i32
        %dma_wait3A_490 = tpu.memref_slice %arg17[%dma_wait3A_488, %dma_wait3A_489] : memref<32x64xf32, #tpu.memory_space<vmem>> -> memref<1x64xf32, #tpu.memory_space<vmem>>
        %dma_wait3A_491 = arith.constant 0 : i32
        %dma_wait3A_492 = arith.constant 0 : i32
        %dma_wait3A_493 = tpu.memref_slice %arg10[%dma_wait3A_491, %dma_wait3A_492] : memref<16384x64xf32, #tpu.memory_space<hbm>> -> memref<1x64xf32, #tpu.memory_space<hbm>>
        tpu.wait_dma2 semaphore(%arg19 : memref<!tpu.dma_semaphore, #tpu.memory_space<semaphore_mem>>) src(%dma_wait3A_493 : memref<1x64xf32, #tpu.memory_space<hbm>>) dst(%dma_wait3A_490 : memref<1x64xf32, #tpu.memory_space<vmem>>)
      } else {
      }
      %add3A_480 = arith.constant 1 : i32
      %add3A_481 = arith.addi %while3A_319, %add3A_480 : i32
      scf.yield %add3A_481, %add3A_475 : i32, i32
    }
    "tpu.region"() ({
      %run_scoped3A = tpu.sem_alloc : memref<!tpu.dma_semaphore, #tpu.memory_space<semaphore_mem>>
      tpu.enqueue_dma source(%arg4 : memref<16384xi32, #tpu.memory_space<hbm>>) target(%arg12 : memref<16384xi32, #tpu.memory_space<vmem>>) target_semaphore(%run_scoped3A : memref<!tpu.dma_semaphore, #tpu.memory_space<semaphore_mem>>)
      tpu.wait_dma2 semaphore(%run_scoped3A : memref<!tpu.dma_semaphore, #tpu.memory_space<semaphore_mem>>) src(%arg4 : memref<16384xi32, #tpu.memory_space<hbm>>) dst(%arg12 : memref<16384xi32, #tpu.memory_space<vmem>>)
      tpu.yield
    }) : () -> ()
    "tpu.region"() ({
      %run_scoped3A = tpu.sem_alloc : memref<!tpu.dma_semaphore, #tpu.memory_space<semaphore_mem>>
      tpu.enqueue_dma source(%arg5 : memref<16384xi32, #tpu.memory_space<hbm>>) target(%arg13 : memref<16384xi32, #tpu.memory_space<vmem>>) target_semaphore(%run_scoped3A : memref<!tpu.dma_semaphore, #tpu.memory_space<semaphore_mem>>)
      tpu.wait_dma2 semaphore(%run_scoped3A : memref<!tpu.dma_semaphore, #tpu.memory_space<semaphore_mem>>) src(%arg5 : memref<16384xi32, #tpu.memory_space<hbm>>) dst(%arg13 : memref<16384xi32, #tpu.memory_space<vmem>>)
      tpu.yield
    }) : () -> ()
    "tpu.region"() ({
      %run_scoped3A = tpu.sem_alloc : memref<!tpu.dma_semaphore, #tpu.memory_space<semaphore_mem>>
      tpu.enqueue_dma source(%arg7 : memref<40xi32, #tpu.memory_space<hbm>>) target(%arg14 : memref<40xi32, #tpu.memory_space<vmem>>) target_semaphore(%run_scoped3A : memref<!tpu.dma_semaphore, #tpu.memory_space<semaphore_mem>>)
      tpu.wait_dma2 semaphore(%run_scoped3A : memref<!tpu.dma_semaphore, #tpu.memory_space<semaphore_mem>>) src(%arg7 : memref<40xi32, #tpu.memory_space<hbm>>) dst(%arg14 : memref<40xi32, #tpu.memory_space<vmem>>)
      tpu.yield
    }) : () -> ()
    %add3A_145 = arith.constant 1 : i32
    %add3A_146 = arith.addi %add3A, %add3A_145 : i32
    %jit3A_147 = arith.constant 16 : i32
    %div3A_148 = arith.divsi %add3A_146, %jit3A_147 : i32
    %sign3A_149 = arith.constant 0 : i32
    %sign3A_150 = arith.cmpi sgt, %add3A_146, %sign3A_149 : i32
    %sign3A_151 = arith.extui %sign3A_150 : i1 to i32
    %sign3A_152 = arith.constant 0 : i32
    %sign3A_153 = arith.cmpi slt, %add3A_146, %sign3A_152 : i32
    %sign3A_154 = arith.extui %sign3A_153 : i1 to i32
    %sign3A_155 = arith.subi %sign3A_151, %sign3A_154 : i32
    %sign3A_156 = arith.constant 0 : i32
    %sign3A_157 = arith.cmpi sgt, %jit3A_147, %sign3A_156 : i32
    %sign3A_158 = arith.extui %sign3A_157 : i1 to i32
    %sign3A_159 = arith.constant 0 : i32
    %sign3A_160 = arith.cmpi slt, %jit3A_147, %sign3A_159 : i32
    %sign3A_161 = arith.extui %sign3A_160 : i1 to i32
    %sign3A_162 = arith.subi %sign3A_158, %sign3A_161 : i32
    %ne3A_163 = arith.cmpi ne, %sign3A_155, %sign3A_162 : i32
    %rem3A_164 = arith.remsi %add3A_146, %jit3A_147 : i32
    %ne3A_165 = arith.constant 0 : i32
    %ne3A_166 = arith.cmpi ne, %rem3A_164, %ne3A_165 : i32
    %and3A_167 = arith.andi %ne3A_163, %ne3A_166 : i1
    %sub3A_168 = arith.constant 1 : i32
    %sub3A_169 = arith.subi %div3A_148, %sub3A_168 : i32
    %select_n3A_170 = arith.select %and3A_167, %sub3A_169, %div3A_148 : i32
    %mul3A_171 = arith.constant 16 : i32
    %mul3A_172 = arith.muli %select_n3A_170, %mul3A_171 : i32
    %get3A_173 = arith.index_cast %mul3A_172 : i32 to index
    %get3A_174 = tpu.vector_load %arg14[%get3A_173] {strides = array<i32>} : memref<40xi32, #tpu.memory_space<vmem>>, vector<16xi32>,
    %sub3A_175 = arith.subi %add3A_146, %mul3A_172 : i32
    %eq3A_176 = vector.broadcast %sub3A_175 : i32 to vector<16xi32>
    %eq3A_177 = arith.cmpi eq, %iota3A, %eq3A_176 : vector<16xi32>
    %jit3A_178 = arith.constant 0 : i32
    %broadcast_in_dim3A_179 = vector.broadcast %jit3A_178 : i32 to vector<16xi32>
    %select_n3A_180 = arith.select %eq3A_177, %get3A_174, %broadcast_in_dim3A_179 : vector<16xi1>, vector<16xi32>
    %reduce_sum3A_181 = arith.constant true
    %reduce_sum3A_182 = vector.broadcast %reduce_sum3A_181 : i1 to vector<16xi1>
    %reduce_sum3A_183 = tpu.scan <sum>, %select_n3A_180 masked %reduce_sum3A_182 : vector<16xi32>, vector<16xi1> -> vector<16xi32>
    %reduce_sum3A_184 = vector.extract %reduce_sum3A_183[15] : i32 from vector<16xi32>
    %jit3A_185 = arith.constant 16 : i32
    %div3A_186 = arith.divsi %add3A, %jit3A_185 : i32
    %sign3A_187 = arith.constant 0 : i32
    %sign3A_188 = arith.cmpi sgt, %add3A, %sign3A_187 : i32
    %sign3A_189 = arith.extui %sign3A_188 : i1 to i32
    %sign3A_190 = arith.constant 0 : i32
    %sign3A_191 = arith.cmpi slt, %add3A, %sign3A_190 : i32
    %sign3A_192 = arith.extui %sign3A_191 : i1 to i32
    %sign3A_193 = arith.subi %sign3A_189, %sign3A_192 : i32
    %sign3A_194 = arith.constant 0 : i32
    %sign3A_195 = arith.cmpi sgt, %jit3A_185, %sign3A_194 : i32
    %sign3A_196 = arith.extui %sign3A_195 : i1 to i32
    %sign3A_197 = arith.constant 0 : i32
    %sign3A_198 = arith.cmpi slt, %jit3A_185, %sign3A_197 : i32
    %sign3A_199 = arith.extui %sign3A_198 : i1 to i32
    %sign3A_200 = arith.subi %sign3A_196, %sign3A_199 : i32
    %ne3A_201 = arith.cmpi ne, %sign3A_193, %sign3A_200 : i32
    %rem3A_202 = arith.remsi %add3A, %jit3A_185 : i32
    %ne3A_203 = arith.constant 0 : i32
    %ne3A_204 = arith.cmpi ne, %rem3A_202, %ne3A_203 : i32
    %and3A_205 = arith.andi %ne3A_201, %ne3A_204 : i1
    %sub3A_206 = arith.constant 1 : i32
    %sub3A_207 = arith.subi %div3A_186, %sub3A_206 : i32
    %select_n3A_208 = arith.select %and3A_205, %sub3A_207, %div3A_186 : i32
    %mul3A_209 = arith.constant 16 : i32
    %mul3A_210 = arith.muli %select_n3A_208, %mul3A_209 : i32
    %get3A_211 = arith.index_cast %mul3A_210 : i32 to index
    %get3A_212 = tpu.vector_load %arg14[%get3A_211] {strides = array<i32>} : memref<40xi32, #tpu.memory_space<vmem>>, vector<16xi32>,
    %sub3A_213 = arith.subi %add3A, %mul3A_210 : i32
    %eq3A_214 = vector.broadcast %sub3A_213 : i32 to vector<16xi32>
    %eq3A_215 = arith.cmpi eq, %iota3A, %eq3A_214 : vector<16xi32>
    %jit3A_216 = arith.constant 0 : i32
    %broadcast_in_dim3A_217 = vector.broadcast %jit3A_216 : i32 to vector<16xi32>
    %select_n3A_218 = arith.select %eq3A_215, %get3A_212, %broadcast_in_dim3A_217 : vector<16xi1>, vector<16xi32>
    %reduce_sum3A_219 = arith.constant true
    %reduce_sum3A_220 = vector.broadcast %reduce_sum3A_219 : i1 to vector<16xi1>
    %reduce_sum3A_221 = tpu.scan <sum>, %select_n3A_218 masked %reduce_sum3A_220 : vector<16xi32>, vector<16xi1> -> vector<16xi32>
    %reduce_sum3A_222 = vector.extract %reduce_sum3A_221[15] : i32 from vector<16xi32>
    %mul3A_223 = arith.constant 82 : i32
    %mul3A_224 = arith.muli %add3A, %mul3A_223 : i32
    %add3A_225 = arith.constant 0 : i32
    %add3A_226 = arith.addi %mul3A_224, %add3A_225 : i32
    %min3A_227 = arith.constant 2603 : i32
    %min3A_228 = arith.minsi %add3A_226, %min3A_227 : i32
    %mul3A_229 = arith.constant 384 : i32
    %mul3A_230 = arith.muli %min3A_228, %mul3A_229 : i32
    %dma_start3A_231 = arith.constant 0 : i32
    %dma_start3A_232 = arith.constant 0 : i32
    %dma_start3A_233 = arith.constant 0 : i32
    %dma_start3A_234 = tpu.memref_slice %arg15[%dma_start3A_231, %dma_start3A_232, %dma_start3A_233] : memref<3x64x384xf32, #tpu.memory_space<vmem>> -> memref<1x64x384xf32, #tpu.memory_space<vmem>>
    %dma_start3A_235 = tpu.memref_squeeze %dma_start3A_234 : memref<1x64x384xf32, #tpu.memory_space<vmem>> -> memref<64x384xf32, #tpu.memory_space<vmem>>
    %dma_start3A_236 = arith.constant 0 : i32
    %dma_start3A_237 = tpu.memref_slice %arg9[%dma_start3A_236, %mul3A_230] : memref<64x1000000xf32, #tpu.memory_space<hbm>> -> memref<64x384xf32, #tpu.memory_space<hbm>>
    %dma_start3A_238 = arith.constant 0 : i32
    %dma_start3A_239 = arith.constant 0 : i32
    %dma_start3A_240 = tpu.memref_slice %arg15[%dma_start3A_231, %dma_start3A_238, %dma_start3A_239] : memref<3x64x384xf32, #tpu.memory_space<vmem>> -> memref<1x64x384xf32, #tpu.memory_space<vmem>>
    %dma_start3A_241 = tpu.memref_squeeze %dma_start3A_240 : memref<1x64x384xf32, #tpu.memory_space<vmem>> -> memref<64x384xf32, #tpu.memory_space<vmem>>
    %dma_start3A_242 = arith.constant 0 : i32
    %dma_start3A_243 = tpu.memref_slice %arg9[%dma_start3A_242, %mul3A_230] : memref<64x1000000xf32, #tpu.memory_space<hbm>> -> memref<64x384xf32, #tpu.memory_space<hbm>>
    tpu.enqueue_dma source(%dma_start3A_243 : memref<64x384xf32, #tpu.memory_space<hbm>>) target(%dma_start3A_241 : memref<64x384xf32, #tpu.memory_space<vmem>>) target_semaphore(%arg18 : memref<!tpu.dma_semaphore, #tpu.memory_space<semaphore_mem>>)
    %mul3A_244 = arith.constant 82 : i32
    %mul3A_245 = arith.muli %add3A, %mul3A_244 : i32
    %add3A_246 = arith.constant 1 : i32
    %add3A_247 = arith.addi %mul3A_245, %add3A_246 : i32
    %min3A_248 = arith.constant 2603 : i32
    %min3A_249 = arith.minsi %add3A_247, %min3A_248 : i32
    %mul3A_250 = arith.constant 384 : i32
    %mul3A_251 = arith.muli %min3A_249, %mul3A_250 : i32
    %dma_start3A_252 = arith.constant 1 : i32
    %dma_start3A_253 = arith.constant 0 : i32
    %dma_start3A_254 = arith.constant 0 : i32
    %dma_start3A_255 = tpu.memref_slice %arg15[%dma_start3A_252, %dma_start3A_253, %dma_start3A_254] : memref<3x64x384xf32, #tpu.memory_space<vmem>> -> memref<1x64x384xf32, #tpu.memory_space<vmem>>
    %dma_start3A_256 = tpu.memref_squeeze %dma_start3A_255 : memref<1x64x384xf32, #tpu.memory_space<vmem>> -> memref<64x384xf32, #tpu.memory_space<vmem>>
    %dma_start3A_257 = arith.constant 0 : i32
    %dma_start3A_258 = tpu.memref_slice %arg9[%dma_start3A_257, %mul3A_251] : memref<64x1000000xf32, #tpu.memory_space<hbm>> -> memref<64x384xf32, #tpu.memory_space<hbm>>
    %dma_start3A_259 = arith.constant 0 : i32
    %dma_start3A_260 = arith.constant 0 : i32
    %dma_start3A_261 = tpu.memref_slice %arg15[%dma_start3A_252, %dma_start3A_259, %dma_start3A_260] : memref<3x64x384xf32, #tpu.memory_space<vmem>> -> memref<1x64x384xf32, #tpu.memory_space<vmem>>
    %dma_start3A_262 = tpu.memref_squeeze %dma_start3A_261 : memref<1x64x384xf32, #tpu.memory_space<vmem>> -> memref<64x384xf32, #tpu.memory_space<vmem>>
    %dma_start3A_263 = arith.constant 0 : i32
    %dma_start3A_264 = tpu.memref_slice %arg9[%dma_start3A_263, %mul3A_251] : memref<64x1000000xf32, #tpu.memory_space<hbm>> -> memref<64x384xf32, #tpu.memory_space<hbm>>
    tpu.enqueue_dma source(%dma_start3A_264 : memref<64x384xf32, #tpu.memory_space<hbm>>) target(%dma_start3A_262 : memref<64x384xf32, #tpu.memory_space<vmem>>) target_semaphore(%arg18 : memref<!tpu.dma_semaphore, #tpu.memory_space<semaphore_mem>>)
    %scan3A_265 = arith.constant 0 : i32
    %scan3A_266 = arith.constant 82 : i32
    %scan3A_267 = arith.addi %scan3A_265, %scan3A_266 : i32
    %scan3A_268 = arith.constant 1 : i32
    %scan3A_269:2 = scf.for %scan3A_319 = %scan3A_265 to %scan3A_267 step %scan3A_268 iter_args(%scan3A_320 = %reduce_sum3A_222, %scan3A_321 = %while3A#1) -> (i32, i32)  : i32 {
      %add3A_322 = arith.constant 2 : i32
      %add3A_323 = arith.addi %scan3A_319, %add3A_322 : i32
      %mul3A_324 = arith.constant 82 : i32
      %mul3A_325 = arith.muli %add3A, %mul3A_324 : i32
      %add3A_326 = arith.addi %mul3A_325, %add3A_323 : i32
      %min3A_327 = arith.constant 2603 : i32
      %min3A_328 = arith.minsi %add3A_326, %min3A_327 : i32
      %mul3A_329 = arith.constant 384 : i32
      %mul3A_330 = arith.muli %min3A_328, %mul3A_329 : i32
      %jit3A_331 = arith.constant 3 : i32
      %eq3A_332 = arith.constant 0 : i32
      %eq3A_333 = arith.cmpi eq, %jit3A_331, %eq3A_332 : i32
      %jit3A_334 = arith.constant 1 : i32
      %select_n3A_335 = arith.select %eq3A_333, %jit3A_334, %jit3A_331 : i32
      %rem3A_336 = arith.remsi %add3A_323, %select_n3A_335 : i32
      %ne3A_337 = arith.constant 0 : i32
      %ne3A_338 = arith.cmpi ne, %rem3A_336, %ne3A_337 : i32
      %lt3A = arith.constant 0 : i32
      %lt3A_339 = arith.cmpi slt, %rem3A_336, %lt3A : i32
      %lt3A_340 = arith.constant 0 : i32
      %lt3A_341 = arith.cmpi slt, %select_n3A_335, %lt3A_340 : i32
      %ne3A_342 = arith.xori %lt3A_339, %lt3A_341 : i1
      %and3A_343 = arith.andi %ne3A_342, %ne3A_338 : i1
      %add3A_344 = arith.addi %rem3A_336, %select_n3A_335 : i32
      %select_n3A_345 = arith.select %and3A_343, %add3A_344, %rem3A_336 : i32
      %dma_start3A_346 = arith.constant 0 : i32
      %dma_start3A_347 = arith.constant 0 : i32
      %dma_start3A_348 = tpu.memref_slice %arg15[%select_n3A_345, %dma_start3A_346, %dma_start3A_347] : memref<3x64x384xf32, #tpu.memory_space<vmem>> -> memref<1x64x384xf32, #tpu.memory_space<vmem>>
      %dma_start3A_349 = tpu.memref_squeeze %dma_start3A_348 : memref<1x64x384xf32, #tpu.memory_space<vmem>> -> memref<64x384xf32, #tpu.memory_space<vmem>>
      %dma_start3A_350 = arith.constant 0 : i32
      %dma_start3A_351 = tpu.memref_slice %arg9[%dma_start3A_350, %mul3A_330] : memref<64x1000000xf32, #tpu.memory_space<hbm>> -> memref<64x384xf32, #tpu.memory_space<hbm>>
      %dma_start3A_352 = arith.constant 0 : i32
      %dma_start3A_353 = arith.constant 0 : i32
      %dma_start3A_354 = tpu.memref_slice %arg15[%select_n3A_345, %dma_start3A_352, %dma_start3A_353] : memref<3x64x384xf32, #tpu.memory_space<vmem>> -> memref<1x64x384xf32, #tpu.memory_space<vmem>>
      %dma_start3A_355 = tpu.memref_squeeze %dma_start3A_354 : memref<1x64x384xf32, #tpu.memory_space<vmem>> -> memref<64x384xf32, #tpu.memory_space<vmem>>
      %dma_start3A_356 = arith.constant 0 : i32
      %dma_start3A_357 = tpu.memref_slice %arg9[%dma_start3A_356, %mul3A_330] : memref<64x1000000xf32, #tpu.memory_space<hbm>> -> memref<64x384xf32, #tpu.memory_space<hbm>>
      tpu.enqueue_dma source(%dma_start3A_357 : memref<64x384xf32, #tpu.memory_space<hbm>>) target(%dma_start3A_355 : memref<64x384xf32, #tpu.memory_space<vmem>>) target_semaphore(%arg18 : memref<!tpu.dma_semaphore, #tpu.memory_space<semaphore_mem>>)
      %dma_wait3A_358 = arith.constant 0 : i32
      %dma_wait3A_359 = arith.constant 0 : i32
      %dma_wait3A_360 = arith.constant 0 : i32
      %dma_wait3A_361 = tpu.memref_slice %arg15[%dma_wait3A_358, %dma_wait3A_359, %dma_wait3A_360] : memref<3x64x384xf32, #tpu.memory_space<vmem>> -> memref<1x64x384xf32, #tpu.memory_space<vmem>>
      %dma_wait3A_362 = tpu.memref_squeeze %dma_wait3A_361 : memref<1x64x384xf32, #tpu.memory_space<vmem>> -> memref<64x384xf32, #tpu.memory_space<vmem>>
      %dma_wait3A_363 = arith.constant 0 : i32
      %dma_wait3A_364 = arith.constant 0 : i32
      %dma_wait3A_365 = tpu.memref_slice %arg8[%dma_wait3A_363, %dma_wait3A_364] : memref<64x1000000xf32, #tpu.memory_space<hbm>> -> memref<64x384xf32, #tpu.memory_space<hbm>>
      %dma_wait3A_366 = arith.constant 0 : i32
      %dma_wait3A_367 = arith.constant 0 : i32
      %dma_wait3A_368 = tpu.memref_slice %arg15[%dma_wait3A_358, %dma_wait3A_366, %dma_wait3A_367] : memref<3x64x384xf32, #tpu.memory_space<vmem>> -> memref<1x64x384xf32, #tpu.memory_space<vmem>>
      %dma_wait3A_369 = tpu.memref_squeeze %dma_wait3A_368 : memref<1x64x384xf32, #tpu.memory_space<vmem>> -> memref<64x384xf32, #tpu.memory_space<vmem>>
      %dma_wait3A_370 = arith.constant 0 : i32
      %dma_wait3A_371 = arith.constant 0 : i32
      %dma_wait3A_372 = tpu.memref_slice %arg8[%dma_wait3A_370, %dma_wait3A_371] : memref<64x1000000xf32, #tpu.memory_space<hbm>> -> memref<64x384xf32, #tpu.memory_space<hbm>>
      tpu.wait_dma2 semaphore(%arg18 : memref<!tpu.dma_semaphore, #tpu.memory_space<semaphore_mem>>) src(%dma_wait3A_372 : memref<64x384xf32, #tpu.memory_space<hbm>>) dst(%dma_wait3A_369 : memref<64x384xf32, #tpu.memory_space<vmem>>)
      %mul3A_373 = arith.constant 82 : i32
      %mul3A_374 = arith.muli %add3A, %mul3A_373 : i32
      %add3A_375 = arith.addi %mul3A_374, %scan3A_319 : i32
      %add3A_376 = arith.constant 1 : i32
      %add3A_377 = arith.addi %add3A_375, %add3A_376 : i32
      %mul3A_378 = arith.constant 384 : i32
      %mul3A_379 = arith.muli %add3A_377, %mul3A_378 : i32
      %min3A_380 = arith.constant 999936 : i32
      %min3A_381 = arith.minsi %mul3A_379, %min3A_380 : i32
      %jit3A_382 = arith.constant 3 : i32
      %eq3A_383 = arith.constant 0 : i32
      %eq3A_384 = arith.cmpi eq, %jit3A_382, %eq3A_383 : i32
      %jit3A_385 = arith.constant 1 : i32
      %select_n3A_386 = arith.select %eq3A_384, %jit3A_385, %jit3A_382 : i32
      %rem3A_387 = arith.remsi %scan3A_319, %select_n3A_386 : i32
      %ne3A_388 = arith.constant 0 : i32
      %ne3A_389 = arith.cmpi ne, %rem3A_387, %ne3A_388 : i32
      %lt3A_390 = arith.constant 0 : i32
      %lt3A_391 = arith.cmpi slt, %rem3A_387, %lt3A_390 : i32
      %lt3A_392 = arith.constant 0 : i32
      %lt3A_393 = arith.cmpi slt, %select_n3A_386, %lt3A_392 : i32
      %ne3A_394 = arith.xori %lt3A_391, %lt3A_393 : i1
      %and3A_395 = arith.andi %ne3A_394, %ne3A_389 : i1
      %add3A_396 = arith.addi %rem3A_387, %select_n3A_386 : i32
      %select_n3A_397 = arith.select %and3A_395, %add3A_396, %rem3A_387 : i32
      %mul3A_398 = arith.constant 0 : i32
      %mul3A_399 = vector.broadcast %mul3A_398 : i32 to vector<16xi32>
      %mul3A_400 = arith.muli %iota3A, %mul3A_399 : vector<16xi32>
      %add3A_401 = vector.broadcast %select_n3A_397 : i32 to vector<16xi32>
      %add3A_402 = arith.addi %add3A_401, %mul3A_400 : vector<16xi32>
      %while3A_403:2 = scf.while (%while3A_404 = %scan3A_320, %while3A_405 = %scan3A_321) : (i32, i32) -> (i32, i32) {
        %lt3A_406 = arith.cmpi slt, %while3A_404, %reduce_sum3A_184 : i32
        %jit3A_407 = arith.constant 16 : i32
        %div3A_408 = arith.divsi %while3A_404, %jit3A_407 : i32
        %sign3A_409 = arith.constant 0 : i32
        %sign3A_410 = arith.cmpi sgt, %while3A_404, %sign3A_409 : i32
        %sign3A_411 = arith.extui %sign3A_410 : i1 to i32
        %sign3A_412 = arith.constant 0 : i32
        %sign3A_413 = arith.cmpi slt, %while3A_404, %sign3A_412 : i32
        %sign3A_414 = arith.extui %sign3A_413 : i1 to i32
        %sign3A_415 = arith.subi %sign3A_411, %sign3A_414 : i32
        %sign3A_416 = arith.constant 0 : i32
        %sign3A_417 = arith.cmpi sgt, %jit3A_407, %sign3A_416 : i32
        %sign3A_418 = arith.extui %sign3A_417 : i1 to i32
        %sign3A_419 = arith.constant 0 : i32
        %sign3A_420 = arith.cmpi slt, %jit3A_407, %sign3A_419 : i32
        %sign3A_421 = arith.extui %sign3A_420 : i1 to i32
        %sign3A_422 = arith.subi %sign3A_418, %sign3A_421 : i32
        %ne3A_423 = arith.cmpi ne, %sign3A_415, %sign3A_422 : i32
        %rem3A_424 = arith.remsi %while3A_404, %jit3A_407 : i32
        %ne3A_425 = arith.constant 0 : i32
        %ne3A_426 = arith.cmpi ne, %rem3A_424, %ne3A_425 : i32
        %and3A_427 = arith.andi %ne3A_423, %ne3A_426 : i1
        %sub3A_428 = arith.constant 1 : i32
        %sub3A_429 = arith.subi %div3A_408, %sub3A_428 : i32
        %select_n3A_430 = arith.select %and3A_427, %sub3A_429, %div3A_408 : i32
        %mul3A_431 = arith.constant 16 : i32
        %mul3A_432 = arith.muli %select_n3A_430, %mul3A_431 : i32
        %get3A_433 = arith.index_cast %mul3A_432 : i32 to index
        %get3A_434 = tpu.vector_load %arg12[%get3A_433] {strides = array<i32>} : memref<16384xi32, #tpu.memory_space<vmem>>, vector<16xi32>,
        %sub3A_435 = arith.subi %while3A_404, %mul3A_432 : i32
        %eq3A_436 = vector.broadcast %sub3A_435 : i32 to vector<16xi32>
        %eq3A_437 = arith.cmpi eq, %iota3A, %eq3A_436 : vector<16xi32>
        %jit3A_438 = arith.constant 0 : i32
        %broadcast_in_dim3A_439 = vector.broadcast %jit3A_438 : i32 to vector<16xi32>
        %select_n3A_440 = arith.select %eq3A_437, %get3A_434, %broadcast_in_dim3A_439 : vector<16xi1>, vector<16xi32>
        %reduce_sum3A_441 = arith.constant true
        %reduce_sum3A_442 = vector.broadcast %reduce_sum3A_441 : i1 to vector<16xi1>
        %reduce_sum3A_443 = tpu.scan <sum>, %select_n3A_440 masked %reduce_sum3A_442 : vector<16xi32>, vector<16xi1> -> vector<16xi32>
        %reduce_sum3A_444 = vector.extract %reduce_sum3A_443[15] : i32 from vector<16xi32>
        %lt3A_445 = arith.cmpi slt, %reduce_sum3A_444, %min3A_381 : i32
        %and3A_446 = arith.andi %lt3A_406, %lt3A_445 : i1
        scf.condition(%and3A_446) %while3A_404, %while3A_405 : i32, i32
      } do {
      ^bb0(%while3A_404: i32, %while3A_405: i32):
        %jit3A_406 = arith.constant 16 : i32
        %div3A_407 = arith.divsi %while3A_404, %jit3A_406 : i32
        %sign3A_408 = arith.constant 0 : i32
        %sign3A_409 = arith.cmpi sgt, %while3A_404, %sign3A_408 : i32
        %sign3A_410 = arith.extui %sign3A_409 : i1 to i32
        %sign3A_411 = arith.constant 0 : i32
        %sign3A_412 = arith.cmpi slt, %while3A_404, %sign3A_411 : i32
        %sign3A_413 = arith.extui %sign3A_412 : i1 to i32
        %sign3A_414 = arith.subi %sign3A_410, %sign3A_413 : i32
        %sign3A_415 = arith.constant 0 : i32
        %sign3A_416 = arith.cmpi sgt, %jit3A_406, %sign3A_415 : i32
        %sign3A_417 = arith.extui %sign3A_416 : i1 to i32
        %sign3A_418 = arith.constant 0 : i32
        %sign3A_419 = arith.cmpi slt, %jit3A_406, %sign3A_418 : i32
        %sign3A_420 = arith.extui %sign3A_419 : i1 to i32
        %sign3A_421 = arith.subi %sign3A_417, %sign3A_420 : i32
        %ne3A_422 = arith.cmpi ne, %sign3A_414, %sign3A_421 : i32
        %rem3A_423 = arith.remsi %while3A_404, %jit3A_406 : i32
        %ne3A_424 = arith.constant 0 : i32
        %ne3A_425 = arith.cmpi ne, %rem3A_423, %ne3A_424 : i32
        %and3A_426 = arith.andi %ne3A_422, %ne3A_425 : i1
        %sub3A_427 = arith.constant 1 : i32
        %sub3A_428 = arith.subi %div3A_407, %sub3A_427 : i32
        %select_n3A_429 = arith.select %and3A_426, %sub3A_428, %div3A_407 : i32
        %mul3A_430 = arith.constant 16 : i32
        %mul3A_431 = arith.muli %select_n3A_429, %mul3A_430 : i32
        %get3A_432 = arith.index_cast %mul3A_431 : i32 to index
        %get3A_433 = tpu.vector_load %arg12[%get3A_432] {strides = array<i32>} : memref<16384xi32, #tpu.memory_space<vmem>>, vector<16xi32>,
        %sub3A_434 = arith.subi %while3A_404, %mul3A_431 : i32
        %eq3A_435 = vector.broadcast %sub3A_434 : i32 to vector<16xi32>
        %eq3A_436 = arith.cmpi eq, %iota3A, %eq3A_435 : vector<16xi32>
        %jit3A_437 = arith.constant 0 : i32
        %broadcast_in_dim3A_438 = vector.broadcast %jit3A_437 : i32 to vector<16xi32>
        %select_n3A_439 = arith.select %eq3A_436, %get3A_433, %broadcast_in_dim3A_438 : vector<16xi1>, vector<16xi32>
        %reduce_sum3A_440 = arith.constant true
        %reduce_sum3A_441 = vector.broadcast %reduce_sum3A_440 : i1 to vector<16xi1>
        %reduce_sum3A_442 = tpu.scan <sum>, %select_n3A_439 masked %reduce_sum3A_441 : vector<16xi32>, vector<16xi1> -> vector<16xi32>
        %reduce_sum3A_443 = vector.extract %reduce_sum3A_442[15] : i32 from vector<16xi32>
        %jit3A_444 = arith.constant 16 : i32
        %div3A_445 = arith.divsi %while3A_404, %jit3A_444 : i32
        %sign3A_446 = arith.constant 0 : i32
        %sign3A_447 = arith.cmpi sgt, %while3A_404, %sign3A_446 : i32
        %sign3A_448 = arith.extui %sign3A_447 : i1 to i32
        %sign3A_449 = arith.constant 0 : i32
        %sign3A_450 = arith.cmpi slt, %while3A_404, %sign3A_449 : i32
        %sign3A_451 = arith.extui %sign3A_450 : i1 to i32
        %sign3A_452 = arith.subi %sign3A_448, %sign3A_451 : i32
        %sign3A_453 = arith.constant 0 : i32
        %sign3A_454 = arith.cmpi sgt, %jit3A_444, %sign3A_453 : i32
        %sign3A_455 = arith.extui %sign3A_454 : i1 to i32
        %sign3A_456 = arith.constant 0 : i32
        %sign3A_457 = arith.cmpi slt, %jit3A_444, %sign3A_456 : i32
        %sign3A_458 = arith.extui %sign3A_457 : i1 to i32
        %sign3A_459 = arith.subi %sign3A_455, %sign3A_458 : i32
        %ne3A_460 = arith.cmpi ne, %sign3A_452, %sign3A_459 : i32
        %rem3A_461 = arith.remsi %while3A_404, %jit3A_444 : i32
        %ne3A_462 = arith.constant 0 : i32
        %ne3A_463 = arith.cmpi ne, %rem3A_461, %ne3A_462 : i32
        %and3A_464 = arith.andi %ne3A_460, %ne3A_463 : i1
        %sub3A_465 = arith.constant 1 : i32
        %sub3A_466 = arith.subi %div3A_445, %sub3A_465 : i32
        %select_n3A_467 = arith.select %and3A_464, %sub3A_466, %div3A_445 : i32
        %mul3A_468 = arith.constant 16 : i32
        %mul3A_469 = arith.muli %select_n3A_467, %mul3A_468 : i32
        %get3A_470 = arith.index_cast %mul3A_469 : i32 to index
        %get3A_471 = tpu.vector_load %arg13[%get3A_470] {strides = array<i32>} : memref<16384xi32, #tpu.memory_space<vmem>>, vector<16xi32>,
        %sub3A_472 = arith.subi %while3A_404, %mul3A_469 : i32
        %eq3A_473 = vector.broadcast %sub3A_472 : i32 to vector<16xi32>
        %eq3A_474 = arith.cmpi eq, %iota3A, %eq3A_473 : vector<16xi32>
        %jit3A_475 = arith.constant 0 : i32
        %broadcast_in_dim3A_476 = vector.broadcast %jit3A_475 : i32 to vector<16xi32>
        %select_n3A_477 = arith.select %eq3A_474, %get3A_471, %broadcast_in_dim3A_476 : vector<16xi1>, vector<16xi32>
        %reduce_sum3A_478 = arith.constant true
        %reduce_sum3A_479 = vector.broadcast %reduce_sum3A_478 : i1 to vector<16xi1>
        %reduce_sum3A_480 = tpu.scan <sum>, %select_n3A_477 masked %reduce_sum3A_479 : vector<16xi32>, vector<16xi1> -> vector<16xi32>
        %reduce_sum3A_481 = vector.extract %reduce_sum3A_480[15] : i32 from vector<16xi32>
        %jit3A_482 = arith.constant 32 : i32
        %eq3A_483 = arith.constant 0 : i32
        %eq3A_484 = arith.cmpi eq, %jit3A_482, %eq3A_483 : i32
        %jit3A_485 = arith.constant 1 : i32
        %select_n3A_486 = arith.select %eq3A_484, %jit3A_485, %jit3A_482 : i32
        %rem3A_487 = arith.remsi %while3A_405, %select_n3A_486 : i32
        %ne3A_488 = arith.constant 0 : i32
        %ne3A_489 = arith.cmpi ne, %rem3A_487, %ne3A_488 : i32
        %lt3A_490 = arith.constant 0 : i32
        %lt3A_491 = arith.cmpi slt, %rem3A_487, %lt3A_490 : i32
        %lt3A_492 = arith.constant 0 : i32
        %lt3A_493 = arith.cmpi slt, %select_n3A_486, %lt3A_492 : i32
        %ne3A_494 = arith.xori %lt3A_491, %lt3A_493 : i1
        %and3A_495 = arith.andi %ne3A_494, %ne3A_489 : i1
        %add3A_496 = arith.addi %rem3A_487, %select_n3A_486 : i32
        %select_n3A_497 = arith.select %and3A_495, %add3A_496, %rem3A_487 : i32
        %add3A_498 = arith.constant 0 : i32
        %add3A_499 = vector.broadcast %add3A_498 : i32 to vector<16xi32>
        %add3A_500 = arith.addi %add3A_499, %iota3A : vector<16xi32>
        %jit3A_501 = arith.constant 384 : i32
        %eq3A_502 = arith.constant 0 : i32
        %eq3A_503 = arith.cmpi eq, %jit3A_501, %eq3A_502 : i32
        %jit3A_504 = arith.constant 1 : i32
        %select_n3A_505 = arith.select %eq3A_503, %jit3A_504, %jit3A_501 : i32
        %rem3A_506 = arith.remsi %reduce_sum3A_443, %select_n3A_505 : i32
        %ne3A_507 = arith.constant 0 : i32
        %ne3A_508 = arith.cmpi ne, %rem3A_506, %ne3A_507 : i32
        %lt3A_509 = arith.constant 0 : i32
        %lt3A_510 = arith.cmpi slt, %rem3A_506, %lt3A_509 : i32
        %lt3A_511 = arith.constant 0 : i32
        %lt3A_512 = arith.cmpi slt, %select_n3A_505, %lt3A_511 : i32
        %ne3A_513 = arith.xori %lt3A_510, %lt3A_512 : i1
        %and3A_514 = arith.andi %ne3A_513, %ne3A_508 : i1
        %add3A_515 = arith.addi %rem3A_506, %select_n3A_505 : i32
        %select_n3A_516 = arith.select %and3A_514, %add3A_515, %rem3A_506 : i32
        %mul3A_517 = arith.constant 0 : i32
        %mul3A_518 = vector.broadcast %mul3A_517 : i32 to vector<16xi32>
        %mul3A_519 = arith.muli %iota3A, %mul3A_518 : vector<16xi32>
        %add3A_520 = vector.broadcast %select_n3A_516 : i32 to vector<16xi32>
        %add3A_521 = arith.addi %add3A_520, %mul3A_519 : vector<16xi32>
        %gather3A = tpu.vector_load_idx %arg15[%add3A_402, %add3A_500, %add3A_521] : memref<3x64x384xf32, #tpu.memory_space<vmem>>[vector<16xi32>, vector<16xi32>, vector<16xi32>], vector<16xf32>,
        %swap3A = arith.index_cast %select_n3A_497 : i32 to index
        %swap3A_522 = arith.constant 0 : index
        %swap3A_523 = tpu.vector_load %arg17[%swap3A, %swap3A_522] {strides = array<i32>} : memref<32x64xf32, #tpu.memory_space<vmem>>, vector<16xf32>,
        tpu.vector_store %arg17[%swap3A, %swap3A_522], %gather3A {strides = array<i32>} : memref<32x64xf32, #tpu.memory_space<vmem>>, vector<16xf32>,
        %add3A_524 = arith.constant 16 : i32
        %add3A_525 = vector.broadcast %add3A_524 : i32 to vector<16xi32>
        %add3A_526 = arith.addi %add3A_525, %iota3A : vector<16xi32>
        %jit3A_527 = arith.constant 384 : i32
        %eq3A_528 = arith.constant 0 : i32
        %eq3A_529 = arith.cmpi eq, %jit3A_527, %eq3A_528 : i32
        %jit3A_530 = arith.constant 1 : i32
        %select_n3A_531 = arith.select %eq3A_529, %jit3A_530, %jit3A_527 : i32
        %rem3A_532 = arith.remsi %reduce_sum3A_443, %select_n3A_531 : i32
        %ne3A_533 = arith.constant 0 : i32
        %ne3A_534 = arith.cmpi ne, %rem3A_532, %ne3A_533 : i32
        %lt3A_535 = arith.constant 0 : i32
        %lt3A_536 = arith.cmpi slt, %rem3A_532, %lt3A_535 : i32
        %lt3A_537 = arith.constant 0 : i32
        %lt3A_538 = arith.cmpi slt, %select_n3A_531, %lt3A_537 : i32
        %ne3A_539 = arith.xori %lt3A_536, %lt3A_538 : i1
        %and3A_540 = arith.andi %ne3A_539, %ne3A_534 : i1
        %add3A_541 = arith.addi %rem3A_532, %select_n3A_531 : i32
        %select_n3A_542 = arith.select %and3A_540, %add3A_541, %rem3A_532 : i32
        %mul3A_543 = arith.constant 0 : i32
        %mul3A_544 = vector.broadcast %mul3A_543 : i32 to vector<16xi32>
        %mul3A_545 = arith.muli %iota3A, %mul3A_544 : vector<16xi32>
        %add3A_546 = vector.broadcast %select_n3A_542 : i32 to vector<16xi32>
        %add3A_547 = arith.addi %add3A_546, %mul3A_545 : vector<16xi32>
        %gather3A_548 = tpu.vector_load_idx %arg15[%add3A_402, %add3A_526, %add3A_547] : memref<3x64x384xf32, #tpu.memory_space<vmem>>[vector<16xi32>, vector<16xi32>, vector<16xi32>], vector<16xf32>,
        %swap3A_549 = arith.index_cast %select_n3A_497 : i32 to index
        %swap3A_550 = arith.constant 16 : index
        %swap3A_551 = tpu.vector_load %arg17[%swap3A_549, %swap3A_550] {strides = array<i32>} : memref<32x64xf32, #tpu.memory_space<vmem>>, vector<16xf32>,
        tpu.vector_store %arg17[%swap3A_549, %swap3A_550], %gather3A_548 {strides = array<i32>} : memref<32x64xf32, #tpu.memory_space<vmem>>, vector<16xf32>,
        %add3A_552 = arith.constant 32 : i32
        %add3A_553 = vector.broadcast %add3A_552 : i32 to vector<16xi32>
        %add3A_554 = arith.addi %add3A_553, %iota3A : vector<16xi32>
        %jit3A_555 = arith.constant 384 : i32
        %eq3A_556 = arith.constant 0 : i32
        %eq3A_557 = arith.cmpi eq, %jit3A_555, %eq3A_556 : i32
        %jit3A_558 = arith.constant 1 : i32
        %select_n3A_559 = arith.select %eq3A_557, %jit3A_558, %jit3A_555 : i32
        %rem3A_560 = arith.remsi %reduce_sum3A_443, %select_n3A_559 : i32
        %ne3A_561 = arith.constant 0 : i32
        %ne3A_562 = arith.cmpi ne, %rem3A_560, %ne3A_561 : i32
        %lt3A_563 = arith.constant 0 : i32
        %lt3A_564 = arith.cmpi slt, %rem3A_560, %lt3A_563 : i32
        %lt3A_565 = arith.constant 0 : i32
        %lt3A_566 = arith.cmpi slt, %select_n3A_559, %lt3A_565 : i32
        %ne3A_567 = arith.xori %lt3A_564, %lt3A_566 : i1
        %and3A_568 = arith.andi %ne3A_567, %ne3A_562 : i1
        %add3A_569 = arith.addi %rem3A_560, %select_n3A_559 : i32
        %select_n3A_570 = arith.select %and3A_568, %add3A_569, %rem3A_560 : i32
        %mul3A_571 = arith.constant 0 : i32
        %mul3A_572 = vector.broadcast %mul3A_571 : i32 to vector<16xi32>
        %mul3A_573 = arith.muli %iota3A, %mul3A_572 : vector<16xi32>
        %add3A_574 = vector.broadcast %select_n3A_570 : i32 to vector<16xi32>
        %add3A_575 = arith.addi %add3A_574, %mul3A_573 : vector<16xi32>
        %gather3A_576 = tpu.vector_load_idx %arg15[%add3A_402, %add3A_554, %add3A_575] : memref<3x64x384xf32, #tpu.memory_space<vmem>>[vector<16xi32>, vector<16xi32>, vector<16xi32>], vector<16xf32>,
        %swap3A_577 = arith.index_cast %select_n3A_497 : i32 to index
        %swap3A_578 = arith.constant 32 : index
        %swap3A_579 = tpu.vector_load %arg17[%swap3A_577, %swap3A_578] {strides = array<i32>} : memref<32x64xf32, #tpu.memory_space<vmem>>, vector<16xf32>,
        tpu.vector_store %arg17[%swap3A_577, %swap3A_578], %gather3A_576 {strides = array<i32>} : memref<32x64xf32, #tpu.memory_space<vmem>>, vector<16xf32>,
        %add3A_580 = arith.constant 48 : i32
        %add3A_581 = vector.broadcast %add3A_580 : i32 to vector<16xi32>
        %add3A_582 = arith.addi %add3A_581, %iota3A : vector<16xi32>
        %jit3A_583 = arith.constant 384 : i32
        %eq3A_584 = arith.constant 0 : i32
        %eq3A_585 = arith.cmpi eq, %jit3A_583, %eq3A_584 : i32
        %jit3A_586 = arith.constant 1 : i32
        %select_n3A_587 = arith.select %eq3A_585, %jit3A_586, %jit3A_583 : i32
        %rem3A_588 = arith.remsi %reduce_sum3A_443, %select_n3A_587 : i32
        %ne3A_589 = arith.constant 0 : i32
        %ne3A_590 = arith.cmpi ne, %rem3A_588, %ne3A_589 : i32
        %lt3A_591 = arith.constant 0 : i32
        %lt3A_592 = arith.cmpi slt, %rem3A_588, %lt3A_591 : i32
        %lt3A_593 = arith.constant 0 : i32
        %lt3A_594 = arith.cmpi slt, %select_n3A_587, %lt3A_593 : i32
        %ne3A_595 = arith.xori %lt3A_592, %lt3A_594 : i1
        %and3A_596 = arith.andi %ne3A_595, %ne3A_590 : i1
        %add3A_597 = arith.addi %rem3A_588, %select_n3A_587 : i32
        %select_n3A_598 = arith.select %and3A_596, %add3A_597, %rem3A_588 : i32
        %mul3A_599 = arith.constant 0 : i32
        %mul3A_600 = vector.broadcast %mul3A_599 : i32 to vector<16xi32>
        %mul3A_601 = arith.muli %iota3A, %mul3A_600 : vector<16xi32>
        %add3A_602 = vector.broadcast %select_n3A_598 : i32 to vector<16xi32>
        %add3A_603 = arith.addi %add3A_602, %mul3A_601 : vector<16xi32>
        %gather3A_604 = tpu.vector_load_idx %arg15[%add3A_402, %add3A_582, %add3A_603] : memref<3x64x384xf32, #tpu.memory_space<vmem>>[vector<16xi32>, vector<16xi32>, vector<16xi32>], vector<16xf32>,
        %swap3A_605 = arith.index_cast %select_n3A_497 : i32 to index
        %swap3A_606 = arith.constant 48 : index
        %swap3A_607 = tpu.vector_load %arg17[%swap3A_605, %swap3A_606] {strides = array<i32>} : memref<32x64xf32, #tpu.memory_space<vmem>>, vector<16xf32>,
        tpu.vector_store %arg17[%swap3A_605, %swap3A_606], %gather3A_604 {strides = array<i32>} : memref<32x64xf32, #tpu.memory_space<vmem>>, vector<16xf32>,
        %dma_start3A_608 = arith.constant 0 : i32
        %dma_start3A_609 = tpu.memref_slice %arg17[%select_n3A_497, %dma_start3A_608] : memref<32x64xf32, #tpu.memory_space<vmem>> -> memref<1x64xf32, #tpu.memory_space<vmem>>
        %dma_start3A_610 = arith.constant 0 : i32
        %dma_start3A_611 = tpu.memref_slice %arg11[%reduce_sum3A_481, %dma_start3A_610] : memref<16384x64xf32, #tpu.memory_space<hbm>> -> memref<1x64xf32, #tpu.memory_space<hbm>>
        %dma_start3A_612 = arith.constant 0 : i32
        %dma_start3A_613 = tpu.memref_slice %arg11[%reduce_sum3A_481, %dma_start3A_612] : memref<16384x64xf32, #tpu.memory_space<hbm>> -> memref<1x64xf32, #tpu.memory_space<hbm>>
        %dma_start3A_614 = arith.constant 0 : i32
        %dma_start3A_615 = tpu.memref_slice %arg17[%select_n3A_497, %dma_start3A_614] : memref<32x64xf32, #tpu.memory_space<vmem>> -> memref<1x64xf32, #tpu.memory_space<vmem>>
        tpu.enqueue_dma source(%dma_start3A_615 : memref<1x64xf32, #tpu.memory_space<vmem>>) target(%dma_start3A_613 : memref<1x64xf32, #tpu.memory_space<hbm>>) target_semaphore(%arg19 : memref<!tpu.dma_semaphore, #tpu.memory_space<semaphore_mem>>)
        %add3A_616 = arith.constant 1 : i32
        %add3A_617 = arith.addi %while3A_405, %add3A_616 : i32
        %gt3A = arith.constant 24 : i32
        %gt3A_618 = arith.cmpi sgt, %add3A_617, %gt3A : i32
        %convert_element_type3A_619 = arith.extui %gt3A_618 : i1 to i32
        %cond3A_620 = arith.constant 0 : i32
        %cond3A_621 = arith.cmpi ne, %convert_element_type3A_619, %cond3A_620 : i32
        scf.if %cond3A_621 {
          %dma_wait3A_624 = arith.constant 0 : i32
          %dma_wait3A_625 = arith.constant 0 : i32
          %dma_wait3A_626 = tpu.memref_slice %arg17[%dma_wait3A_624, %dma_wait3A_625] : memref<32x64xf32, #tpu.memory_space<vmem>> -> memref<1x64xf32, #tpu.memory_space<vmem>>
          %dma_wait3A_627 = arith.constant 0 : i32
          %dma_wait3A_628 = arith.constant 0 : i32
          %dma_wait3A_629 = tpu.memref_slice %arg10[%dma_wait3A_627, %dma_wait3A_628] : memref<16384x64xf32, #tpu.memory_space<hbm>> -> memref<1x64xf32, #tpu.memory_space<hbm>>
          %dma_wait3A_630 = arith.constant 0 : i32
          %dma_wait3A_631 = arith.constant 0 : i32
          %dma_wait3A_632 = tpu.memref_slice %arg17[%dma_wait3A_630, %dma_wait3A_631] : memref<32x64xf32, #tpu.memory_space<vmem>> -> memref<1x64xf32, #tpu.memory_space<vmem>>
          %dma_wait3A_633 = arith.constant 0 : i32
          %dma_wait3A_634 = arith.constant 0 : i32
          %dma_wait3A_635 = tpu.memref_slice %arg10[%dma_wait3A_633, %dma_wait3A_634] : memref<16384x64xf32, #tpu.memory_space<hbm>> -> memref<1x64xf32, #tpu.memory_space<hbm>>
          tpu.wait_dma2 semaphore(%arg19 : memref<!tpu.dma_semaphore, #tpu.memory_space<semaphore_mem>>) src(%dma_wait3A_635 : memref<1x64xf32, #tpu.memory_space<hbm>>) dst(%dma_wait3A_632 : memref<1x64xf32, #tpu.memory_space<vmem>>)
        } else {
        }
        %add3A_622 = arith.constant 1 : i32
        %add3A_623 = arith.addi %while3A_404, %add3A_622 : i32
        scf.yield %add3A_623, %add3A_617 : i32, i32
      }
      scf.yield %while3A_403#0, %while3A_403#1 : i32, i32
    }
    %scan3A_270 = arith.constant 82 : i32
    %dma_wait3A_271 = arith.constant 0 : i32
    %dma_wait3A_272 = arith.constant 0 : i32
    %dma_wait3A_273 = arith.constant 0 : i32
    %dma_wait3A_274 = tpu.memref_slice %arg15[%dma_wait3A_271, %dma_wait3A_272, %dma_wait3A_273] : memref<3x64x384xf32, #tpu.memory_space<vmem>> -> memref<1x64x384xf32, #tpu.memory_space<vmem>>
    %dma_wait3A_275 = tpu.memref_squeeze %dma_wait3A_274 : memref<1x64x384xf32, #tpu.memory_space<vmem>> -> memref<64x384xf32, #tpu.memory_space<vmem>>
    %dma_wait3A_276 = arith.constant 0 : i32
    %dma_wait3A_277 = arith.constant 0 : i32
    %dma_wait3A_278 = tpu.memref_slice %arg8[%dma_wait3A_276, %dma_wait3A_277] : memref<64x1000000xf32, #tpu.memory_space<hbm>> -> memref<64x384xf32, #tpu.memory_space<hbm>>
    %dma_wait3A_279 = arith.constant 0 : i32
    %dma_wait3A_280 = arith.constant 0 : i32
    %dma_wait3A_281 = tpu.memref_slice %arg15[%dma_wait3A_271, %dma_wait3A_279, %dma_wait3A_280] : memref<3x64x384xf32, #tpu.memory_space<vmem>> -> memref<1x64x384xf32, #tpu.memory_space<vmem>>
    %dma_wait3A_282 = tpu.memref_squeeze %dma_wait3A_281 : memref<1x64x384xf32, #tpu.memory_space<vmem>> -> memref<64x384xf32, #tpu.memory_space<vmem>>
    %dma_wait3A_283 = arith.constant 0 : i32
    %dma_wait3A_284 = arith.constant 0 : i32
    %dma_wait3A_285 = tpu.memref_slice %arg8[%dma_wait3A_283, %dma_wait3A_284] : memref<64x1000000xf32, #tpu.memory_space<hbm>> -> memref<64x384xf32, #tpu.memory_space<hbm>>
    tpu.wait_dma2 semaphore(%arg18 : memref<!tpu.dma_semaphore, #tpu.memory_space<semaphore_mem>>) src(%dma_wait3A_285 : memref<64x384xf32, #tpu.memory_space<hbm>>) dst(%dma_wait3A_282 : memref<64x384xf32, #tpu.memory_space<vmem>>)
    %dma_wait3A_286 = arith.constant 0 : i32
    %dma_wait3A_287 = arith.constant 0 : i32
    %dma_wait3A_288 = arith.constant 0 : i32
    %dma_wait3A_289 = tpu.memref_slice %arg15[%dma_wait3A_286, %dma_wait3A_287, %dma_wait3A_288] : memref<3x64x384xf32, #tpu.memory_space<vmem>> -> memref<1x64x384xf32, #tpu.memory_space<vmem>>
    %dma_wait3A_290 = tpu.memref_squeeze %dma_wait3A_289 : memref<1x64x384xf32, #tpu.memory_space<vmem>> -> memref<64x384xf32, #tpu.memory_space<vmem>>
    %dma_wait3A_291 = arith.constant 0 : i32
    %dma_wait3A_292 = arith.constant 0 : i32
    %dma_wait3A_293 = tpu.memref_slice %arg8[%dma_wait3A_291, %dma_wait3A_292] : memref<64x1000000xf32, #tpu.memory_space<hbm>> -> memref<64x384xf32, #tpu.memory_space<hbm>>
    %dma_wait3A_294 = arith.constant 0 : i32
    %dma_wait3A_295 = arith.constant 0 : i32
    %dma_wait3A_296 = tpu.memref_slice %arg15[%dma_wait3A_286, %dma_wait3A_294, %dma_wait3A_295] : memref<3x64x384xf32, #tpu.memory_space<vmem>> -> memref<1x64x384xf32, #tpu.memory_space<vmem>>
    %dma_wait3A_297 = tpu.memref_squeeze %dma_wait3A_296 : memref<1x64x384xf32, #tpu.memory_space<vmem>> -> memref<64x384xf32, #tpu.memory_space<vmem>>
    %dma_wait3A_298 = arith.constant 0 : i32
    %dma_wait3A_299 = arith.constant 0 : i32
    %dma_wait3A_300 = tpu.memref_slice %arg8[%dma_wait3A_298, %dma_wait3A_299] : memref<64x1000000xf32, #tpu.memory_space<hbm>> -> memref<64x384xf32, #tpu.memory_space<hbm>>
    tpu.wait_dma2 semaphore(%arg18 : memref<!tpu.dma_semaphore, #tpu.memory_space<semaphore_mem>>) src(%dma_wait3A_300 : memref<64x384xf32, #tpu.memory_space<hbm>>) dst(%dma_wait3A_297 : memref<64x384xf32, #tpu.memory_space<vmem>>)
    %eq3A_301 = arith.constant 31 : i32
    %eq3A_302 = arith.cmpi eq, %add3A, %eq3A_301 : i32
    %convert_element_type3A_303 = arith.extui %eq3A_302 : i1 to i32
    %cond3A_304 = arith.constant 0 : i32
    %cond3A_305 = arith.cmpi ne, %convert_element_type3A_303, %cond3A_304 : i32
    scf.if %cond3A_305 {
      "tpu.region"() ({
        %run_scoped3A = tpu.sem_alloc : memref<!tpu.dma_semaphore, #tpu.memory_space<semaphore_mem>>
        %dma_start3A_319 = arith.constant 0 : i32
        %dma_start3A_320 = arith.constant 999936 : i32
        %dma_start3A_321 = tpu.memref_slice %arg9[%dma_start3A_319, %dma_start3A_320] : memref<64x1000000xf32, #tpu.memory_space<hbm>> -> memref<64x64xf32, #tpu.memory_space<hbm>>
        %dma_start3A_322 = arith.constant 0 : i32
        %dma_start3A_323 = arith.constant 999936 : i32
        %dma_start3A_324 = tpu.memref_slice %arg9[%dma_start3A_322, %dma_start3A_323] : memref<64x1000000xf32, #tpu.memory_space<hbm>> -> memref<64x64xf32, #tpu.memory_space<hbm>>
        tpu.enqueue_dma source(%dma_start3A_324 : memref<64x64xf32, #tpu.memory_space<hbm>>) target(%arg16 : memref<64x64xf32, #tpu.memory_space<vmem>>) target_semaphore(%run_scoped3A : memref<!tpu.dma_semaphore, #tpu.memory_space<semaphore_mem>>)
        %dma_wait3A_325 = arith.constant 0 : i32
        %dma_wait3A_326 = arith.constant 999936 : i32
        %dma_wait3A_327 = tpu.memref_slice %arg9[%dma_wait3A_325, %dma_wait3A_326] : memref<64x1000000xf32, #tpu.memory_space<hbm>> -> memref<64x64xf32, #tpu.memory_space<hbm>>
        %dma_wait3A_328 = arith.constant 0 : i32
        %dma_wait3A_329 = arith.constant 999936 : i32
        %dma_wait3A_330 = tpu.memref_slice %arg9[%dma_wait3A_328, %dma_wait3A_329] : memref<64x1000000xf32, #tpu.memory_space<hbm>> -> memref<64x64xf32, #tpu.memory_space<hbm>>
        tpu.wait_dma2 semaphore(%run_scoped3A : memref<!tpu.dma_semaphore, #tpu.memory_space<semaphore_mem>>) src(%dma_wait3A_330 : memref<64x64xf32, #tpu.memory_space<hbm>>) dst(%arg16 : memref<64x64xf32, #tpu.memory_space<vmem>>)
        tpu.yield
      }) : () -> ()
    } else {
    }
    %while3A_306:2 = scf.while (%while3A_319 = %scan3A_269#0, %while3A_320 = %scan3A_269#1) : (i32, i32) -> (i32, i32) {
      %lt3A = arith.cmpi slt, %while3A_319, %reduce_sum3A_184 : i32
      scf.condition(%lt3A) %while3A_319, %while3A_320 : i32, i32
    } do {
    ^bb0(%while3A_319: i32, %while3A_320: i32):
      %jit3A_321 = arith.constant 16 : i32
      %div3A_322 = arith.divsi %while3A_319, %jit3A_321 : i32
      %sign3A_323 = arith.constant 0 : i32
      %sign3A_324 = arith.cmpi sgt, %while3A_319, %sign3A_323 : i32
      %sign3A_325 = arith.extui %sign3A_324 : i1 to i32
      %sign3A_326 = arith.constant 0 : i32
      %sign3A_327 = arith.cmpi slt, %while3A_319, %sign3A_326 : i32
      %sign3A_328 = arith.extui %sign3A_327 : i1 to i32
      %sign3A_329 = arith.subi %sign3A_325, %sign3A_328 : i32
      %sign3A_330 = arith.constant 0 : i32
      %sign3A_331 = arith.cmpi sgt, %jit3A_321, %sign3A_330 : i32
      %sign3A_332 = arith.extui %sign3A_331 : i1 to i32
      %sign3A_333 = arith.constant 0 : i32
      %sign3A_334 = arith.cmpi slt, %jit3A_321, %sign3A_333 : i32
      %sign3A_335 = arith.extui %sign3A_334 : i1 to i32
      %sign3A_336 = arith.subi %sign3A_332, %sign3A_335 : i32
      %ne3A_337 = arith.cmpi ne, %sign3A_329, %sign3A_336 : i32
      %rem3A_338 = arith.remsi %while3A_319, %jit3A_321 : i32
      %ne3A_339 = arith.constant 0 : i32
      %ne3A_340 = arith.cmpi ne, %rem3A_338, %ne3A_339 : i32
      %and3A_341 = arith.andi %ne3A_337, %ne3A_340 : i1
      %sub3A_342 = arith.constant 1 : i32
      %sub3A_343 = arith.subi %div3A_322, %sub3A_342 : i32
      %select_n3A_344 = arith.select %and3A_341, %sub3A_343, %div3A_322 : i32
      %mul3A_345 = arith.constant 16 : i32
      %mul3A_346 = arith.muli %select_n3A_344, %mul3A_345 : i32
      %get3A_347 = arith.index_cast %mul3A_346 : i32 to index
      %get3A_348 = tpu.vector_load %arg12[%get3A_347] {strides = array<i32>} : memref<16384xi32, #tpu.memory_space<vmem>>, vector<16xi32>,
      %sub3A_349 = arith.subi %while3A_319, %mul3A_346 : i32
      %eq3A_350 = vector.broadcast %sub3A_349 : i32 to vector<16xi32>
      %eq3A_351 = arith.cmpi eq, %iota3A, %eq3A_350 : vector<16xi32>
      %jit3A_352 = arith.constant 0 : i32
      %broadcast_in_dim3A_353 = vector.broadcast %jit3A_352 : i32 to vector<16xi32>
      %select_n3A_354 = arith.select %eq3A_351, %get3A_348, %broadcast_in_dim3A_353 : vector<16xi1>, vector<16xi32>
      %reduce_sum3A_355 = arith.constant true
      %reduce_sum3A_356 = vector.broadcast %reduce_sum3A_355 : i1 to vector<16xi1>
      %reduce_sum3A_357 = tpu.scan <sum>, %select_n3A_354 masked %reduce_sum3A_356 : vector<16xi32>, vector<16xi1> -> vector<16xi32>
      %reduce_sum3A_358 = vector.extract %reduce_sum3A_357[15] : i32 from vector<16xi32>
      %jit3A_359 = arith.constant 16 : i32
      %div3A_360 = arith.divsi %while3A_319, %jit3A_359 : i32
      %sign3A_361 = arith.constant 0 : i32
      %sign3A_362 = arith.cmpi sgt, %while3A_319, %sign3A_361 : i32
      %sign3A_363 = arith.extui %sign3A_362 : i1 to i32
      %sign3A_364 = arith.constant 0 : i32
      %sign3A_365 = arith.cmpi slt, %while3A_319, %sign3A_364 : i32
      %sign3A_366 = arith.extui %sign3A_365 : i1 to i32
      %sign3A_367 = arith.subi %sign3A_363, %sign3A_366 : i32
      %sign3A_368 = arith.constant 0 : i32
      %sign3A_369 = arith.cmpi sgt, %jit3A_359, %sign3A_368 : i32
      %sign3A_370 = arith.extui %sign3A_369 : i1 to i32
      %sign3A_371 = arith.constant 0 : i32
      %sign3A_372 = arith.cmpi slt, %jit3A_359, %sign3A_371 : i32
      %sign3A_373 = arith.extui %sign3A_372 : i1 to i32
      %sign3A_374 = arith.subi %sign3A_370, %sign3A_373 : i32
      %ne3A_375 = arith.cmpi ne, %sign3A_367, %sign3A_374 : i32
      %rem3A_376 = arith.remsi %while3A_319, %jit3A_359 : i32
      %ne3A_377 = arith.constant 0 : i32
      %ne3A_378 = arith.cmpi ne, %rem3A_376, %ne3A_377 : i32
      %and3A_379 = arith.andi %ne3A_375, %ne3A_378 : i1
      %sub3A_380 = arith.constant 1 : i32
      %sub3A_381 = arith.subi %div3A_360, %sub3A_380 : i32
      %select_n3A_382 = arith.select %and3A_379, %sub3A_381, %div3A_360 : i32
      %mul3A_383 = arith.constant 16 : i32
      %mul3A_384 = arith.muli %select_n3A_382, %mul3A_383 : i32
      %get3A_385 = arith.index_cast %mul3A_384 : i32 to index
      %get3A_386 = tpu.vector_load %arg13[%get3A_385] {strides = array<i32>} : memref<16384xi32, #tpu.memory_space<vmem>>, vector<16xi32>,
      %sub3A_387 = arith.subi %while3A_319, %mul3A_384 : i32
      %eq3A_388 = vector.broadcast %sub3A_387 : i32 to vector<16xi32>
      %eq3A_389 = arith.cmpi eq, %iota3A, %eq3A_388 : vector<16xi32>
      %jit3A_390 = arith.constant 0 : i32
      %broadcast_in_dim3A_391 = vector.broadcast %jit3A_390 : i32 to vector<16xi32>
      %select_n3A_392 = arith.select %eq3A_389, %get3A_386, %broadcast_in_dim3A_391 : vector<16xi1>, vector<16xi32>
      %reduce_sum3A_393 = arith.constant true
      %reduce_sum3A_394 = vector.broadcast %reduce_sum3A_393 : i1 to vector<16xi1>
      %reduce_sum3A_395 = tpu.scan <sum>, %select_n3A_392 masked %reduce_sum3A_394 : vector<16xi32>, vector<16xi1> -> vector<16xi32>
      %reduce_sum3A_396 = vector.extract %reduce_sum3A_395[15] : i32 from vector<16xi32>
      %jit3A_397 = arith.constant 32 : i32
      %eq3A_398 = arith.constant 0 : i32
      %eq3A_399 = arith.cmpi eq, %jit3A_397, %eq3A_398 : i32
      %jit3A_400 = arith.constant 1 : i32
      %select_n3A_401 = arith.select %eq3A_399, %jit3A_400, %jit3A_397 : i32
      %rem3A_402 = arith.remsi %while3A_320, %select_n3A_401 : i32
      %ne3A_403 = arith.constant 0 : i32
      %ne3A_404 = arith.cmpi ne, %rem3A_402, %ne3A_403 : i32
      %lt3A = arith.constant 0 : i32
      %lt3A_405 = arith.cmpi slt, %rem3A_402, %lt3A : i32
      %lt3A_406 = arith.constant 0 : i32
      %lt3A_407 = arith.cmpi slt, %select_n3A_401, %lt3A_406 : i32
      %ne3A_408 = arith.xori %lt3A_405, %lt3A_407 : i1
      %and3A_409 = arith.andi %ne3A_408, %ne3A_404 : i1
      %add3A_410 = arith.addi %rem3A_402, %select_n3A_401 : i32
      %select_n3A_411 = arith.select %and3A_409, %add3A_410, %rem3A_402 : i32
      %add3A_412 = arith.constant 0 : i32
      %add3A_413 = vector.broadcast %add3A_412 : i32 to vector<16xi32>
      %add3A_414 = arith.addi %add3A_413, %iota3A : vector<16xi32>
      %sub3A_415 = arith.constant 999936 : i32
      %sub3A_416 = arith.subi %reduce_sum3A_358, %sub3A_415 : i32
      %mul3A_417 = arith.constant 0 : i32
      %mul3A_418 = vector.broadcast %mul3A_417 : i32 to vector<16xi32>
      %mul3A_419 = arith.muli %iota3A, %mul3A_418 : vector<16xi32>
      %add3A_420 = vector.broadcast %sub3A_416 : i32 to vector<16xi32>
      %add3A_421 = arith.addi %add3A_420, %mul3A_419 : vector<16xi32>
      %gather3A = tpu.vector_load_idx %arg16[%add3A_414, %add3A_421] : memref<64x64xf32, #tpu.memory_space<vmem>>[vector<16xi32>, vector<16xi32>], vector<16xf32>,
      %swap3A = arith.index_cast %select_n3A_411 : i32 to index
      %swap3A_422 = arith.constant 0 : index
      %swap3A_423 = tpu.vector_load %arg17[%swap3A, %swap3A_422] {strides = array<i32>} : memref<32x64xf32, #tpu.memory_space<vmem>>, vector<16xf32>,
      tpu.vector_store %arg17[%swap3A, %swap3A_422], %gather3A {strides = array<i32>} : memref<32x64xf32, #tpu.memory_space<vmem>>, vector<16xf32>,
      %add3A_424 = arith.constant 16 : i32
      %add3A_425 = vector.broadcast %add3A_424 : i32 to vector<16xi32>
      %add3A_426 = arith.addi %add3A_425, %iota3A : vector<16xi32>
      %sub3A_427 = arith.constant 999936 : i32
      %sub3A_428 = arith.subi %reduce_sum3A_358, %sub3A_427 : i32
      %mul3A_429 = arith.constant 0 : i32
      %mul3A_430 = vector.broadcast %mul3A_429 : i32 to vector<16xi32>
      %mul3A_431 = arith.muli %iota3A, %mul3A_430 : vector<16xi32>
      %add3A_432 = vector.broadcast %sub3A_428 : i32 to vector<16xi32>
      %add3A_433 = arith.addi %add3A_432, %mul3A_431 : vector<16xi32>
      %gather3A_434 = tpu.vector_load_idx %arg16[%add3A_426, %add3A_433] : memref<64x64xf32, #tpu.memory_space<vmem>>[vector<16xi32>, vector<16xi32>], vector<16xf32>,
      %swap3A_435 = arith.index_cast %select_n3A_411 : i32 to index
      %swap3A_436 = arith.constant 16 : index
      %swap3A_437 = tpu.vector_load %arg17[%swap3A_435, %swap3A_436] {strides = array<i32>} : memref<32x64xf32, #tpu.memory_space<vmem>>, vector<16xf32>,
      tpu.vector_store %arg17[%swap3A_435, %swap3A_436], %gather3A_434 {strides = array<i32>} : memref<32x64xf32, #tpu.memory_space<vmem>>, vector<16xf32>,
      %add3A_438 = arith.constant 32 : i32
      %add3A_439 = vector.broadcast %add3A_438 : i32 to vector<16xi32>
      %add3A_440 = arith.addi %add3A_439, %iota3A : vector<16xi32>
      %sub3A_441 = arith.constant 999936 : i32
      %sub3A_442 = arith.subi %reduce_sum3A_358, %sub3A_441 : i32
      %mul3A_443 = arith.constant 0 : i32
      %mul3A_444 = vector.broadcast %mul3A_443 : i32 to vector<16xi32>
      %mul3A_445 = arith.muli %iota3A, %mul3A_444 : vector<16xi32>
      %add3A_446 = vector.broadcast %sub3A_442 : i32 to vector<16xi32>
      %add3A_447 = arith.addi %add3A_446, %mul3A_445 : vector<16xi32>
      %gather3A_448 = tpu.vector_load_idx %arg16[%add3A_440, %add3A_447] : memref<64x64xf32, #tpu.memory_space<vmem>>[vector<16xi32>, vector<16xi32>], vector<16xf32>,
      %swap3A_449 = arith.index_cast %select_n3A_411 : i32 to index
      %swap3A_450 = arith.constant 32 : index
      %swap3A_451 = tpu.vector_load %arg17[%swap3A_449, %swap3A_450] {strides = array<i32>} : memref<32x64xf32, #tpu.memory_space<vmem>>, vector<16xf32>,
      tpu.vector_store %arg17[%swap3A_449, %swap3A_450], %gather3A_448 {strides = array<i32>} : memref<32x64xf32, #tpu.memory_space<vmem>>, vector<16xf32>,
      %add3A_452 = arith.constant 48 : i32
      %add3A_453 = vector.broadcast %add3A_452 : i32 to vector<16xi32>
      %add3A_454 = arith.addi %add3A_453, %iota3A : vector<16xi32>
      %sub3A_455 = arith.constant 999936 : i32
      %sub3A_456 = arith.subi %reduce_sum3A_358, %sub3A_455 : i32
      %mul3A_457 = arith.constant 0 : i32
      %mul3A_458 = vector.broadcast %mul3A_457 : i32 to vector<16xi32>
      %mul3A_459 = arith.muli %iota3A, %mul3A_458 : vector<16xi32>
      %add3A_460 = vector.broadcast %sub3A_456 : i32 to vector<16xi32>
      %add3A_461 = arith.addi %add3A_460, %mul3A_459 : vector<16xi32>
      %gather3A_462 = tpu.vector_load_idx %arg16[%add3A_454, %add3A_461] : memref<64x64xf32, #tpu.memory_space<vmem>>[vector<16xi32>, vector<16xi32>], vector<16xf32>,
      %swap3A_463 = arith.index_cast %select_n3A_411 : i32 to index
      %swap3A_464 = arith.constant 48 : index
      %swap3A_465 = tpu.vector_load %arg17[%swap3A_463, %swap3A_464] {strides = array<i32>} : memref<32x64xf32, #tpu.memory_space<vmem>>, vector<16xf32>,
      tpu.vector_store %arg17[%swap3A_463, %swap3A_464], %gather3A_462 {strides = array<i32>} : memref<32x64xf32, #tpu.memory_space<vmem>>, vector<16xf32>,
      %dma_start3A_466 = arith.constant 0 : i32
      %dma_start3A_467 = tpu.memref_slice %arg17[%select_n3A_411, %dma_start3A_466] : memref<32x64xf32, #tpu.memory_space<vmem>> -> memref<1x64xf32, #tpu.memory_space<vmem>>
      %dma_start3A_468 = arith.constant 0 : i32
      %dma_start3A_469 = tpu.memref_slice %arg11[%reduce_sum3A_396, %dma_start3A_468] : memref<16384x64xf32, #tpu.memory_space<hbm>> -> memref<1x64xf32, #tpu.memory_space<hbm>>
      %dma_start3A_470 = arith.constant 0 : i32
      %dma_start3A_471 = tpu.memref_slice %arg11[%reduce_sum3A_396, %dma_start3A_470] : memref<16384x64xf32, #tpu.memory_space<hbm>> -> memref<1x64xf32, #tpu.memory_space<hbm>>
      %dma_start3A_472 = arith.constant 0 : i32
      %dma_start3A_473 = tpu.memref_slice %arg17[%select_n3A_411, %dma_start3A_472] : memref<32x64xf32, #tpu.memory_space<vmem>> -> memref<1x64xf32, #tpu.memory_space<vmem>>
      tpu.enqueue_dma source(%dma_start3A_473 : memref<1x64xf32, #tpu.memory_space<vmem>>) target(%dma_start3A_471 : memref<1x64xf32, #tpu.memory_space<hbm>>) target_semaphore(%arg19 : memref<!tpu.dma_semaphore, #tpu.memory_space<semaphore_mem>>)
      %add3A_474 = arith.constant 1 : i32
      %add3A_475 = arith.addi %while3A_320, %add3A_474 : i32
      %gt3A = arith.constant 24 : i32
      %gt3A_476 = arith.cmpi sgt, %add3A_475, %gt3A : i32
      %convert_element_type3A_477 = arith.extui %gt3A_476 : i1 to i32
      %cond3A_478 = arith.constant 0 : i32
      %cond3A_479 = arith.cmpi ne, %convert_element_type3A_477, %cond3A_478 : i32
      scf.if %cond3A_479 {
        %dma_wait3A_482 = arith.constant 0 : i32
        %dma_wait3A_483 = arith.constant 0 : i32
        %dma_wait3A_484 = tpu.memref_slice %arg17[%dma_wait3A_482, %dma_wait3A_483] : memref<32x64xf32, #tpu.memory_space<vmem>> -> memref<1x64xf32, #tpu.memory_space<vmem>>
        %dma_wait3A_485 = arith.constant 0 : i32
        %dma_wait3A_486 = arith.constant 0 : i32
        %dma_wait3A_487 = tpu.memref_slice %arg10[%dma_wait3A_485, %dma_wait3A_486] : memref<16384x64xf32, #tpu.memory_space<hbm>> -> memref<1x64xf32, #tpu.memory_space<hbm>>
        %dma_wait3A_488 = arith.constant 0 : i32
        %dma_wait3A_489 = arith.constant 0 : i32
        %dma_wait3A_490 = tpu.memref_slice %arg17[%dma_wait3A_488, %dma_wait3A_489] : memref<32x64xf32, #tpu.memory_space<vmem>> -> memref<1x64xf32, #tpu.memory_space<vmem>>
        %dma_wait3A_491 = arith.constant 0 : i32
        %dma_wait3A_492 = arith.constant 0 : i32
        %dma_wait3A_493 = tpu.memref_slice %arg10[%dma_wait3A_491, %dma_wait3A_492] : memref<16384x64xf32, #tpu.memory_space<hbm>> -> memref<1x64xf32, #tpu.memory_space<hbm>>
        tpu.wait_dma2 semaphore(%arg19 : memref<!tpu.dma_semaphore, #tpu.memory_space<semaphore_mem>>) src(%dma_wait3A_493 : memref<1x64xf32, #tpu.memory_space<hbm>>) dst(%dma_wait3A_490 : memref<1x64xf32, #tpu.memory_space<vmem>>)
      } else {
      }
      %add3A_480 = arith.constant 1 : i32
      %add3A_481 = arith.addi %while3A_319, %add3A_480 : i32
      scf.yield %add3A_481, %add3A_475 : i32, i32
    }
    %min3A_307 = arith.constant 24 : i32
    %min3A_308 = arith.minsi %while3A_306#1, %min3A_307 : i32
    %while3A_309 = arith.constant 0 : i32
    %while3A_310 = arith.constant 0 : i32
    %while3A_311 = arith.subi %min3A_308, %while3A_310 : i32
    %while3A_312 = arith.addi %while3A_310, %while3A_311 : i32
    %while3A_313 = arith.constant 1 : i32
    %while3A_314 = arith.divsi %while3A_311, %while3A_313 : i32
    %while3A_315 = arith.muli %while3A_314, %while3A_313 : i32
    %while3A_316 = arith.addi %while3A_310, %while3A_315 : i32
    %while3A_317 = arith.constant 1 : i32
    scf.for %while3A_319 = %while3A_310 to %while3A_316 step %while3A_317  : i32 {
      %dma_wait3A_320 = arith.constant 0 : i32
      %dma_wait3A_321 = arith.constant 0 : i32
      %dma_wait3A_322 = tpu.memref_slice %arg17[%dma_wait3A_320, %dma_wait3A_321] : memref<32x64xf32, #tpu.memory_space<vmem>> -> memref<1x64xf32, #tpu.memory_space<vmem>>
      %dma_wait3A_323 = arith.constant 0 : i32
      %dma_wait3A_324 = arith.constant 0 : i32
      %dma_wait3A_325 = tpu.memref_slice %arg10[%dma_wait3A_323, %dma_wait3A_324] : memref<16384x64xf32, #tpu.memory_space<hbm>> -> memref<1x64xf32, #tpu.memory_space<hbm>>
      %dma_wait3A_326 = arith.constant 0 : i32
      %dma_wait3A_327 = arith.constant 0 : i32
      %dma_wait3A_328 = tpu.memref_slice %arg17[%dma_wait3A_326, %dma_wait3A_327] : memref<32x64xf32, #tpu.memory_space<vmem>> -> memref<1x64xf32, #tpu.memory_space<vmem>>
      %dma_wait3A_329 = arith.constant 0 : i32
      %dma_wait3A_330 = arith.constant 0 : i32
      %dma_wait3A_331 = tpu.memref_slice %arg10[%dma_wait3A_329, %dma_wait3A_330] : memref<16384x64xf32, #tpu.memory_space<hbm>> -> memref<1x64xf32, #tpu.memory_space<hbm>>
      tpu.wait_dma2 semaphore(%arg19 : memref<!tpu.dma_semaphore, #tpu.memory_space<semaphore_mem>>) src(%dma_wait3A_331 : memref<1x64xf32, #tpu.memory_space<hbm>>) dst(%dma_wait3A_328 : memref<1x64xf32, #tpu.memory_space<vmem>>)
    }
    %while3A_318 = arith.constant 1 : i32
    scf.for %while3A_319 = %while3A_316 to %while3A_312 step %while3A_318  : i32 {
      %dma_wait3A_320 = arith.constant 0 : i32
      %dma_wait3A_321 = arith.constant 0 : i32
      %dma_wait3A_322 = tpu.memref_slice %arg17[%dma_wait3A_320, %dma_wait3A_321] : memref<32x64xf32, #tpu.memory_space<vmem>> -> memref<1x64xf32, #tpu.memory_space<vmem>>
      %dma_wait3A_323 = arith.constant 0 : i32
      %dma_wait3A_324 = arith.constant 0 : i32
      %dma_wait3A_325 = tpu.memref_slice %arg10[%dma_wait3A_323, %dma_wait3A_324] : memref<16384x64xf32, #tpu.memory_space<hbm>> -> memref<1x64xf32, #tpu.memory_space<hbm>>
      %dma_wait3A_326 = arith.constant 0 : i32
      %dma_wait3A_327 = arith.constant 0 : i32
      %dma_wait3A_328 = tpu.memref_slice %arg17[%dma_wait3A_326, %dma_wait3A_327] : memref<32x64xf32, #tpu.memory_space<vmem>> -> memref<1x64xf32, #tpu.memory_space<vmem>>
      %dma_wait3A_329 = arith.constant 0 : i32
      %dma_wait3A_330 = arith.constant 0 : i32
      %dma_wait3A_331 = tpu.memref_slice %arg10[%dma_wait3A_329, %dma_wait3A_330] : memref<16384x64xf32, #tpu.memory_space<hbm>> -> memref<1x64xf32, #tpu.memory_space<hbm>>
      tpu.wait_dma2 semaphore(%arg19 : memref<!tpu.dma_semaphore, #tpu.memory_space<semaphore_mem>>) src(%dma_wait3A_331 : memref<1x64xf32, #tpu.memory_space<hbm>>) dst(%dma_wait3A_328 : memref<1x64xf32, #tpu.memory_space<vmem>>)
    }
    return
  }
}

module attributes {stable_mosaic.version = 14 : i64} {
  func.func @_mlp_body(%arg0: i32, %arg1: memref<2048x64xf32, #tpu.memory_space<vmem>>, %arg2: memref<2048x64xf32, #tpu.memory_space<vmem>>, %arg3: memref<64x128xf32, #tpu.memory_space<vmem>>, %arg4: memref<1x64xf32, #tpu.memory_space<vmem>>, %arg5: memref<1x64xf32, #tpu.memory_space<vmem>>, %arg6: memref<2048x1xf32, #tpu.memory_space<vmem>>) attributes {dimension_semantics = [#tpu.dimension_semantics<arbitrary>], iteration_bounds = array<i64: 8>, scalar_prefetch = 0 : i64, scratch_operands = 0 : i64, tpu.core_type = #tpu.core_type<tc>, window_params = [{transform_indices = @transform_0, window_bounds = array<i64: 2048, 64>}, {transform_indices = @transform_1, window_bounds = array<i64: 2048, 64>}, {pipeline_mode = #tpu.pipeline_mode<synchronous>, transform_indices = @transform_2, window_bounds = array<i64: 64, 128>}, {pipeline_mode = #tpu.pipeline_mode<synchronous>, transform_indices = @transform_3, window_bounds = array<i64: 1, 64>}, {pipeline_mode = #tpu.pipeline_mode<synchronous>, transform_indices = @transform_4, window_bounds = array<i64: 1, 64>}, {transform_indices = @transform_5, window_bounds = array<i64: 2048, 1>}]} {
    %get3A = arith.constant 0 : index
    %get3A_0 = arith.constant 0 : index
    %get3A_1 = vector.load %arg1[%get3A, %get3A_0] : memref<2048x64xf32, #tpu.memory_space<vmem>>, vector<2048x64xf32>
    %get3A_2 = arith.constant 0 : index
    %get3A_3 = arith.constant 0 : index
    %get3A_4 = vector.load %arg2[%get3A_2, %get3A_3] : memref<2048x64xf32, #tpu.memory_space<vmem>>, vector<2048x64xf32>
    %get3A_5 = arith.constant 0 : index
    %get3A_6 = arith.constant 0 : index
    %get3A_7 = vector.load %arg3[%get3A_5, %get3A_6] : memref<64x128xf32, #tpu.memory_space<vmem>>, vector<64x128xf32>
    %slice3A = vector.extract_strided_slice %get3A_7 {offsets = [0, 0], sizes = [64, 64], strides = [1, 1]} : vector<64x128xf32> to vector<64x64xf32>
    %slice3A_8 = vector.extract_strided_slice %get3A_7 {offsets = [0, 64], sizes = [64, 64], strides = [1, 1]} : vector<64x128xf32> to vector<64x64xf32>
    %dot_general3A = arith.constant dense<0.000000e+00> : vector<2048x64xf32>
    %dot_general3A_9 = tpu.matmul %get3A_1, %slice3A, %dot_general3A {dimension_numbers = #tpu.dot_dimension_numbers<[1], [1], [0], [0], [0, 0, 1, 0], [], []>, transpose_lhs_hint = false} : vector<2048x64xf32>, vector<64x64xf32>, vector<2048x64xf32> -> vector<2048x64xf32>
    %dot_general3A_10 = arith.constant dense<0.000000e+00> : vector<2048x64xf32>
    %dot_general3A_11 = tpu.matmul %get3A_4, %slice3A_8, %dot_general3A_10 {dimension_numbers = #tpu.dot_dimension_numbers<[1], [1], [0], [0], [0, 0, 1, 0], [], []>, transpose_lhs_hint = false} : vector<2048x64xf32>, vector<64x64xf32>, vector<2048x64xf32> -> vector<2048x64xf32>
    %add3A = arith.addf %dot_general3A_9, %dot_general3A_11 : vector<2048x64xf32>
    %get3A_12 = arith.constant 0 : index
    %get3A_13 = arith.constant 0 : index
    %get3A_14 = vector.load %arg4[%get3A_12, %get3A_13] : memref<1x64xf32, #tpu.memory_space<vmem>>, vector<1x64xf32>
    %add3A_15 = vector.broadcast %get3A_14 : vector<1x64xf32> to vector<2048x64xf32>
    %add3A_16 = arith.addf %add3A, %add3A_15 : vector<2048x64xf32>
    %max3A = arith.constant 0.000000e+00 : f32
    %max3A_17 = vector.broadcast %max3A : f32 to vector<2048x64xf32>
    %max3A_18 = arith.maximumf %add3A_16, %max3A_17 : vector<2048x64xf32>
    %get3A_19 = arith.constant 0 : index
    %get3A_20 = arith.constant 0 : index
    %get3A_21 = vector.load %arg5[%get3A_19, %get3A_20] : memref<1x64xf32, #tpu.memory_space<vmem>>, vector<1x64xf32>
    %dot_general3A_22 = arith.constant dense<0.000000e+00> : vector<2048x1xf32>
    %dot_general3A_23 = tpu.matmul %max3A_18, %get3A_21, %dot_general3A_22 {dimension_numbers = #tpu.dot_dimension_numbers<[1], [1], [0], [0], [0, 0, 1, 0], [], []>, transpose_lhs_hint = false} : vector<2048x64xf32>, vector<1x64xf32>, vector<2048x1xf32> -> vector<2048x1xf32>
    %swap3A = arith.constant 0 : index
    %swap3A_24 = arith.constant 0 : index
    %swap3A_25 = vector.load %arg6[%swap3A, %swap3A_24] : memref<2048x1xf32, #tpu.memory_space<vmem>>, vector<2048x1xf32>
    tpu.vector_store %arg6[%swap3A, %swap3A_24], %dot_general3A_23 {strides = array<i32>} : memref<2048x1xf32, #tpu.memory_space<vmem>>, vector<2048x1xf32>,
    return
  }
  func.func @transform_0(%arg0: i32) -> (i32, i32) {
    %c0_i32 = arith.constant 0 : i32
    %c0_i32_0 = arith.constant 0 : i32
    return %arg0, %c0_i32 : i32, i32
  }
  func.func @transform_1(%arg0: i32) -> (i32, i32) {
    %c0_i32 = arith.constant 0 : i32
    %c0_i32_0 = arith.constant 0 : i32
    return %arg0, %c0_i32 : i32, i32
  }
  func.func @transform_2(%arg0: i32) -> (i32, i32) {
    %c0_i32 = arith.constant 0 : i32
    %c0_i32_0 = arith.constant 0 : i32
    %c0_i32_1 = arith.constant 0 : i32
    return %c0_i32, %c0_i32_0 : i32, i32
  }
  func.func @transform_3(%arg0: i32) -> (i32, i32) {
    %c0_i32 = arith.constant 0 : i32
    %c0_i32_0 = arith.constant 0 : i32
    %c0_i32_1 = arith.constant 0 : i32
    return %c0_i32, %c0_i32_0 : i32, i32
  }
  func.func @transform_4(%arg0: i32) -> (i32, i32) {
    %c0_i32 = arith.constant 0 : i32
    %c0_i32_0 = arith.constant 0 : i32
    %c0_i32_1 = arith.constant 0 : i32
    return %c0_i32, %c0_i32_0 : i32, i32
  }
  func.func @transform_5(%arg0: i32) -> (i32, i32) {
    %c0_i32 = arith.constant 0 : i32
    %c0_i32_0 = arith.constant 0 : i32
    return %arg0, %c0_i32 : i32, i32
  }
}

</mosaic_0001>

<sc_bundles>
// kernel: kernel.4.cloned.1.call-start
scs
__scs_entry_jumppad:
0x0: {  	(pc) =	sbr.rel $0x88, $3  }
0x1: {  	(tag) =	ssettag $0x0;
	lr =	simm.s32 $0x1  }
0x2: {  	[smem:$0x3F9B] =	sst lr;
	_ =	strace $0xD0000000  }
0x3: {  	_ = 	snop  }
0x4: {  	_ = 	snop  }
0x5: {  	_ = 	snop  }
0x6: {  	_ = 	snop  }
0x7: {  	_ = 	snop  }
__scs_overlays_trampoline_lowered:
0x8: {  	[smem:$0x3FAA] =	sst s0  }
0x9: {  	[smem:$0x3FAB] =	sst s1  }
0xa: {  	[smem:$0x3FAC] =	sst s2  }
0xb: {  	[smem:$0x3FAD] =	sst s3  }
0xc: {  	[smem:$0x3FAE] =	sst s4  }
0xd: {  	[smem:$0x3FAF] =	sst s5  }
0xe: {  	[smem:$0x3FB0] =	sst s6  }
0xf: {  	[smem:$0x3FB1] =	sst s7  }
0x10: {  	[smem:$0x3FB2] =	sst s8  }
0x11: {  	[smem:$0x3FB3] =	sst s9;
	s0 =	simm.s32 @!p0 $0x0  }
0x12: {  	s1 =	sld [smem:$0x3F99];
	s0 =	simm.s32 @p0 $0x1  }
0x13: {  	[smem:$0x3FB4] =	sst s0;
	s0 =	simm.s32 @!p1 $0x0  }
0x14: {  	s2 =	sld [smem:$0x3F98];
	s0 =	simm.s32 @p1 $0x1  }
0x15: {  	[smem:$0x3FB5] =	sst s0;
	s0 =	simm.s32 @!p2 $0x0  }
0x16: {  	s3 =	sld [smem:$0x3FDB];
	s0 =	simm.s32 @p2 $0x1  }
0x17: {  	s4 =	simm.s32 $0x1BF5;
	[smem:$0x3FB7] =	sst s0  }
0x18: {  	s0 =	sld [smem:$0x3F9A];
	_ =	swait.ge [sflag:s4], $0x0  }
0x19: {  	s7 =	sld [smem:$0x3F9B]  }
0x1a: {  	s8 =	sadd.s32 $0xFFFFE003, lr  }
0x1b: {  	s9 =	sadd.s32 $0xFFFFFEF7, lr;
	s5 =	simm.s32 $0xFFFFFFFF;
	p2 =	slt.u32 s8, $0xFFFFF086  }
0x1c: {  	p1 =	slt.u32 s9, $0xF7A;
	s5 =	simm.s32 @!p2 $0x0  }
0x1d: {  	s5 =	simm.s32 @p1 $0x1;
	p0 =	seq.s32 s7, s2  }
0x1e: {  	s7 =	smul.u32 @!p0 $0xF7A, s2;
	p2 =	seq.s32 @!p0 s5, $0x0  }
0x1f: {  	s9 =	smul.u32 $0xF7A, s1;
	s8 =	simm.s32 @!p0 $0x1BF5;
	p2 =	por !p2, p0  }
0x20: {  	[sflag:s8] =	ssyncset.s32 @!p0 $0xFFFFF086;
	s6 =	sadd.s32 @!p0 s3, s7;
	s7 =	simm.s32 @!p0 $0x108  }
0x21: {  	s3 =	sadd.s32 s3, s9;
	s6 =	sadd.s32 @!p0 $0x88, s6;
	s7 =	simm.s32 @p2 $0x1082  }
0x22: {  	[simem:s7], [sflag:s8] =	dma.local @!p0 [hbm:s6], $0xF7A  }
0x23: {  	s9 =	sor.u32 $0xD0000000, s2;
	s6 =	simm.s32 $0x108;
	_ =	swait.ge @!p0 [sflag:s8], $0x0  }
0x24: {  	s3 =	sadd.s32 $0x88, s3;
	s6 =	simm.s32 @!p1 $0x1082;
	[sflag:s4] =	ssyncset.s32 $0xFFFFF086  }
0x25: {  	[simem:s6], [sflag:s4] =	dma.local [hbm:s3], $0xF7A  }
0x26: {  	[smem:$0x3F9B] =	sst s1;
	(tag) =	ssettag s2;
	_ =	strace s9  }
0x27: {  	s1 =	sld [smem:$0x3FAB]  }
0x28: {  	s2 =	sld [smem:$0x3FAC]  }
0x29: {  	s4 =	sld [smem:$0x3FAE]  }
0x2a: {  	p0 =	seq.s32 s5, $0x0;
	s5 =	sld [smem:$0x3FAF]  }
0x2b: {  	s6 =	sld [smem:$0x3FB0]  }
0x2c: {  	s7 =	sld [smem:$0x3FB1]  }
0x2d: {  	s3 =	simm.s32 $0x108;
	s8 =	sld [smem:$0x3FB2]  }
0x2e: {  	s3 =	simm.s32 @!p0 $0x1082;
	s9 =	sld [smem:$0x3FB3]  }
0x2f: {  	lr =	sadd.s32 s0, s3;
	s0 =	sld [smem:$0x3FAA]  }
0x30: {  	s3 =	sld [smem:$0x3FAD]  }
0x31: {  	[smem:$0x3FB6] =	sst s10  }
0x32: {  	s10 =	sld [smem:$0x3FB4];
	_ =	sdelay $0x3  }
0x33: {  	p0 =	seq.s32 s10, $0x1;
	s10 =	sld [smem:$0x3FB6];
	_ =	sdelay $0x3  }
0x34: {  	[smem:$0x3FB6] =	sst s10  }
0x35: {  	s10 =	sld [smem:$0x3FB5];
	_ =	sdelay $0x3  }
0x36: {  	p1 =	seq.s32 s10, $0x1;
	s10 =	sld [smem:$0x3FB6];
	_ =	sdelay $0x3  }
0x37: {  	[smem:$0x3FB6] =	sst s10  }
0x38: {  	s10 =	sld [smem:$0x3FB7]  }
0x39: {  	_ = 	snop;
	(pc) =	sbr.ind lr, $3  }
0x3a: {  	_ = 	snop  }
0x3b: {  	_ = 	snop  }
0x3c: {  	p2 =	seq.s32 s10, $0x1;
	s10 =	sld [smem:$0x3FB6]  }
0x3d: {  	_ =	shalt  }
0x3e: {  	_ =	shalt  }
0x3f: {  	_ =	shalt  }
0x40: {  	_ =	shalt  }
0x41: {  	_ =	shalt  }
0x42: {  	_ =	shalt  }
0x43: {  	_ =	shalt  }
0x44: {  	_ =	shalt  }
0x45: {  	_ =	shalt  }
0x46: {  	_ =	shalt  }
0x47: {  	_ =	shalt  }
0x48: {  	_ =	shalt  }
0x49: {  	_ =	shalt  }
0x4a: {  	_ =	shalt  }
0x4b: {  	_ =	shalt  }
0x4c: {  	_ =	shalt  }
0x4d: {  	_ =	shalt  }
0x4e: {  	_ =	shalt  }
0x4f: {  	_ =	shalt  }
0x50: {  	_ =	shalt  }
0x51: {  	_ =	shalt  }
0x52: {  	_ =	shalt  }
0x53: {  	_ =	shalt  }
0x54: {  	_ =	shalt  }
0x55: {  	_ =	shalt  }
0x56: {  	_ =	shalt  }
0x57: {  	_ =	shalt  }
0x58: {  	_ =	shalt  }
0x59: {  	_ =	shalt  }
0x5a: {  	_ =	shalt  }
0x5b: {  	_ =	shalt  }
0x5c: {  	_ =	shalt  }
0x5d: {  	_ =	shalt  }
0x5e: {  	_ =	shalt  }
0x5f: {  	_ =	shalt  }
0x60: {  	_ =	shalt  }
0x61: {  	_ =	shalt  }
0x62: {  	_ =	shalt  }
0x63: {  	_ =	shalt  }
0x64: {  	_ =	shalt  }
0x65: {  	_ =	shalt  }
0x66: {  	_ =	shalt  }
0x67: {  	_ =	shalt  }
0x68: {  	_ =	shalt  }
0x69: {  	_ =	shalt  }
0x6a: {  	_ =	shalt  }
0x6b: {  	_ =	shalt  }
0x6c: {  	_ =	shalt  }
0x6d: {  	_ =	shalt  }
0x6e: {  	_ =	shalt  }
0x6f: {  	_ =	shalt  }
0x70: {  	_ =	shalt  }
0x71: {  	_ =	shalt  }
0x72: {  	_ =	shalt  }
0x73: {  	_ =	shalt  }
0x74: {  	_ =	shalt  }
0x75: {  	_ =	shalt  }
0x76: {  	_ =	shalt  }
0x77: {  	_ =	shalt  }
0x78: {  	_ =	shalt  }
0x79: {  	_ =	shalt  }
0x7a: {  	_ =	shalt  }
0x7b: {  	_ =	shalt  }
0x7c: {  	_ =	shalt  }
0x7d: {  	_ =	shalt  }
0x7e: {  	_ =	shalt  }
0x7f: {  	_ =	shalt  }
0x80: {  	_ =	shalt  }
0x81: {  	_ =	shalt  }
0x82: {  	_ =	shalt  }
0x83: {  	_ =	shalt  }
0x84: {  	_ =	shalt  }
0x85: {  	_ =	shalt  }
0x86: {  	_ =	shalt  }
0x87: {  	_ =	shalt  }
.Lfunc_end0:
.L_simem_size_0:
called_computation_lowered:
.L_overlay_start_0:
0x88: {  	s2 =	sld [smem:$0x3FD9]  }
0x89: {  	s3 =	sld [smem:$0x3FFE];
	_ =	sdelay $0x1  }
0x8a: {  	s1 =	srdreg.scid  }
0x8b: {  	s0 =	sand.u32 $0x1, s1  }
0x8c: {  	s14 =	sshll.u32 s0, $0xA;
	s2 =	sadd.s32 s3, s2  }
0x8d: {  	s2 =	sadd.s32 s2, s14  }
0x8e: {  	[smem:$0x3FC2] =	sst s2  }
0x8f: {  	_ = 	snop  }
0x90: {  	s2 =	sld [smem:$0x3FD0];
	_ =	sdelay $0x1  }
0x91: {  	s15 =	sld [smem:$0x3FC8]  }
0x92: {  	s5 =	simm.s32 $0xA;
	s6 =	simm.s32 $0x10;
	s4 =	sld [smem:$0x3FC7]  }
0x93: {  	[smem:s6], [sflag:s5] =	dma.local [hbm:s2], $0x1  }
0x94: {  	_ =	swait.eq [sflag:s5], $0x1  }
0x95: {  	s16 =	sld [smem:$0x10];
	[sflag:s5] =	ssyncset.done $0x0  }
0x96: {  	s17 =	sld [smem:$0x11];
	[sflag:s5] =	ssyncadd.s32 $0xFFFFFFFF  }
0x97: {  	s18 =	sld [smem:$0x12];
	(tm) =	ssettm $0x1  }
0x98: {  	s7 =	sld [smem:$0x3FFB];
	_ =	sdelay $0x3  }
0x99: {  	_ =	strace s7  }
0x9a: {  	s7 =	sld [smem:$0x3FFC];
	_ =	sdelay $0x3  }
0x9b: {  	_ =	strace s7  }
0x9c: {  	s7 =	sld [smem:$0x3FFD];
	_ =	sdelay $0x3  }
0x9d: {  	_ =	strace s7  }
0x9e: {  	_ =	strace $0x8FFFFFFF  }
0x9f: {  	s19 =	sld [smem:$0x3FDB];
	_ =	sdelay $0x1  }
0xa0: {  	s8 =	simm.s32 $_scs_section_size  }
0xa1: {  	s9 =	simm.s32 $_size__tile_overlayer_lowered;
	s10 =	simm.s32 $_tile_overlayer_lowered  }
0xa2: {  	s22 =	simm.s32 $0x1BFF;
	s21 =	sshll.u32 s10, $0x1;
	s7 =	sadd.s32 s8, s19  }
0xa3: {  	s11 =	simm.s32 $0x0;
	s20 =	sshll.u32 s9, $0x1;
	s9 =	sadd.s32 s21, s7  }
0xa4: {  	[timem:s11], [sflag:s22] =	dma.local [hbm:s9], s20  }
0xa5: {  	_ =	swait.ge [sflag:s22], s20  }
0xa6: {  	s8 =	ssub.s32 $0x0, s20;
	[sflag:s22] =	ssyncset.done $0x0  }
0xa7: {  	[sflag:s22] =	ssyncadd.s32 s8;
	_ =	sdelay $0x1  }
0xa8: {  	s23 =	simm.s32 $0x1B8B  }
0xa9: {  	_ =	swait.ge [sflag:s23], $0x1  }
0xaa: {  	[sflag:s23] =	ssyncset.done $0x0  }
0xab: {  	s25 =	simm.s32 $0x1B8E;
	s24 =	sld [smem:$0x3FFE];
	[sflag:s23] =	ssyncadd.s32 $0xFFFFFFFF  }
0xac: {  	s26 =	simm.s32 $execute0_lowered;
	[smem:$0x3FD2] =	sst s25  }
0xad: {  	s9 =	sshll.u32 s26, $0x1;
	_ =	strace $0x80000046;
	[dreg:$0x1] =	wrdreg $0xFFFFFFFF  }
0xae: {  	s28 =	simm.s32 $_size_execute0_lowered;
	s7 =	sadd.s32 s7, s9;
	[dreg:$0x0] =	wrdreg $0x0  }
0xaf: {  	s9 =	sshll.u32 s28, $0x1;
	[dreg:$0x2] =	wrdreg s7  }
0xb0: {  	[dreg:$0x3] =	wrdreg s9  }
0xb1: {  	[dreg:$0x4] =	wrdreg $0xC0  }
0xb2: {  	_ =	task [dreg:s11], $0x5FFFF  }
0xb3: {  	[dreg:$0x1] =	wrdreg $0xFFFFFFFF  }
0xb4: {  	[dreg:$0x0] =	wrdreg $0x60  }
0xb5: {  	[dreg:$0x2] =	wrdreg s18  }
0xb6: {  	[dreg:$0x3] =	wrdreg s16  }
0xb7: {  	[dreg:$0x4] =	wrdreg s24  }
0xb8: {  	[dreg:$0x5] =	wrdreg s17  }
0xb9: {  	[dreg:$0x6] =	wrdreg s15  }
0xba: {  	[dreg:$0x7] =	wrdreg s4  }
0xbb: {  	[dreg:$0x8] =	wrdreg $0x9  }
0xbc: {  	_ =	task.clear_ibuf [dreg:s11], $0x9FFFF;
	_ =	strace $0x90000046  }
0xbd: {  	s29 =	simm.s32 $0x9;
	_ =	strace $0x80000048  }
0xbe: {  	_ =	swait.ge [sflag:s29], $0x1  }
0xbf: {  	[sflag:s29] =	ssyncadd.s32 $0xFFFFFFFF  }
0xc0: {  	_ =	strace $0x90000048  }
0xc1: {  	_ =	sfence  }
0xc2: {  	s30 =	sld [smem:$0x0];
	_ =	sdelay $0x2  }
0xc3: {  	s31 =	sshll.u32 s1, $0xD;
	s1 =	sshrl.u32 s1, $0x2  }
0xc4: {  	s3 =	sand.u32 $0x4000, s31;
	s1 =	sadd.s32 s1, s30  }
0xc5: {  	s0 =	sor.u32 s3, s0;
	s1 =	sshll.u32 s1, $0x11  }
0xc6: {  	s0 =	sor.u32 s1, s0  }
0xc7: {  	s0 =	sadd.s32 $0x8F2B, s0  }
0xc8: {  	[sflag:s0] =	ssyncadd.remote.s32 $0x1  }
0xc9: {  	_ =	sfence.sel $0xFFFF  }
0xca: {  	[dreg:$0x0] =	wrdreg $0xFFFFFFFF;
	(pc) =	sbr.abs _section_cstart, $3  }
0xcb: {  	[dreg:$0x1] =	wrdreg $0xFFFFFFFF  }
0xcc: {  	_ =	task.clear_ibuf [dreg:s11], $0x2FFFF;
	_ =	strace $0x9FFFFFFF  }
0xcd: {  	(tm) =	ssettm $0x7FFFFFFF  }
tec
execute0_lowered:
.L_overlay_start_1:
0x0: {  	(tag) =	ssettag $0x1  }
0x1: {  	v0 =	vimm.s32 $0xF80  }
0x2: {  	vm0 =	vcmask $0x300;
	vm1 =	vcmask $0x704;
	vm2 =	vcmask $0xB08  }
0x3: {  	vm3 =	vcmask $0xF0C;
	vm4 =	vcmask $0x1310;
	vm5 =	vcmask $0x1714  }
0x4: {  	v1 =	vimm.s32 $0x2780;
	v2 =	vimm.s32 $0x3F80;
	v3 =	vimm.s32 $0x5780  }
0x5: {  	v0 =	vsel vm0, $0x0, v0;
	v1 =	vsel vm0, $0x1800, v1;
	v2 =	vsel vm0, $0x3000, v2  }
0x6: {  	v3 =	vsel vm0, $0x4800, v3;
	vm0 =	vcmask $0x1B18;
	v0 =	vsel vm1, $0x80, v0  }
0x7: {  	s0 =	srdreg.scid;
	s3 =	stileid.u32;
	v1 =	vsel vm1, $0x1880, v1;
	v2 =	vsel vm1, $0x3080, v2;
	v3 =	vsel vm1, $0x4880, v3  }
0x8: {  	s2 =	sand.u32 $0x1, s0;
	s3 =	sshll.u32 s3, $0x1;
	vm1 =	vcmask $0x1F1C;
	v0 =	vsel vm2, $0x100, v0;
	v1 =	vsel vm2, $0x1900, v1  }
0x9: {  	s0 =	sor.u32 s2, s3;
	v2 =	vsel vm2, $0x3100, v2;
	v3 =	vsel vm2, $0x4900, v3;
	vm2 =	vcmask $0x2320  }
0xa: {  	s5 =	sadd.s32 $0x1, s0;
	v0 =	vsel vm3, $0x180, v0;
	v1 =	vsel vm3, $0x1980, v1;
	v2 =	vsel vm3, $0x3180, v2  }
0xb: {  	v3 =	vsel vm3, $0x4980, v3;
	s8 =	sand.u32 $0xF, s5;
	v0 =	vsel vm4, $0x200, v0;
	v1 =	vsel vm4, $0x1A00, v1  }
0xc: {  	v2 =	vsel vm4, $0x3200, v2;
	v3 =	vsel vm4, $0x4A00, v3;
	v6 =	vmov s8  }
0xd: {  	v0 =	vsel vm5, $0x280, v0;
	v1 =	vsel vm5, $0x1A80, v1;
	v2 =	vsel vm5, $0x3280, v2  }
0xe: {  	s8 =	sand.u32 $0x10, s3;
	v3 =	vsel vm5, $0x4A80, v3;
	v0 =	vsel vm0, $0x300, v0;
	v1 =	vsel vm0, $0x1B00, v1  }
0xf: {  	s1 =	rddreg [dreg:$0x2];
	s15 =	ssub.s32 s0, s8;
	v2 =	vsel vm0, $0x3300, v2;
	v3 =	vsel vm0, $0x4B00, v3;
	vm0 =	vcmask $0x2724  }
0x10: {  	s4 =	rddreg [dreg:$0x4];
	v4 =	vmov s15;
	v0 =	vsel vm1, $0x380, v0;
	v1 =	vsel vm1, $0x1B80, v1  }
0x11: {  	s6 =	rddreg [dreg:$0x5];
	s28 =	simm.s32 $0x7A1400;
	v2 =	vsel vm1, $0x3380, v2;
	v3 =	vsel vm1, $0x4B80, v3;
	vm1 =	vcmask $0x2B28  }
0x12: {  	s7 =	simm.s32 $0x0;
	s29 =	simm.s32 $0x8080;
	s30 =	simm.s32 $0xE080;
	v0 =	vsel vm2, $0xC00, v0;
	v1 =	vsel vm2, $0x2400, v1;
	v2 =	vsel vm2, $0x3C00, v2  }
0x13: {  	s31 =	simm.s32 $0x1;
	[smem:$0x7FF] =	sst s7;
	s14 =	sadd.s32 $0xC00, s1;
	v3 =	vsel vm2, $0x5400, v3;
	vm2 =	vcmask $0x3734;
	v0 =	vsel vm0, $0xC80, v0  }
0x14: {  	s9 =	sadd.s32 $0xA00, s1;
	_ =	strace $0x80000047;
	[dreg:$0x7] =	wrdreg s14;
	v1 =	vsel vm0, $0x2480, v1;
	v2 =	vsel vm0, $0x3C80, v2;
	v3 =	vsel vm0, $0x5480, v3  }
0x15: {  	s16 =	sadd.s32 $0x800, s1;
	s12 =	sadd.s32 $0x1400, s1;
	[dreg:$0x8] =	wrdreg s9;
	vm0 =	vcmask $0x2F2C;
	v0 =	vsel vm1, $0xD00, v0;
	v1 =	vsel vm1, $0x2500, v1  }
0x16: {  	s13 =	sadd.s32 $0x41400, s1;
	s25 =	sadd.s32 $0xF4200, s4;
	[dreg:$0x9] =	wrdreg s16;
	v2 =	vsel vm1, $0x3D00, v2;
	v3 =	vsel vm1, $0x5500, v3;
	vm1 =	vcmask $0x3330  }
0x17: {  	s21 =	sadd.s32 $0xF4200, s6;
	s2 =	ssub.s32 $0x2, s2;
	[dreg:$0xc] =	wrdreg s25;
	v5 =	vsel vm0, $0xD80, v0;
	v0 =	vlaneseq.u32;
	v1 =	vsel vm0, $0x2580, v1  }
0x18: {  	s25 =	simm.s32 $0x3;
	s17 =	sshrl.u32 s2, $0x1;
	s18 =	smul.u32 $0x7B00, s0;
	v2 =	vsel vm0, $0x3D80, v2;
	v3 =	vsel vm0, $0x5580, v3;
	v5 =	vsel vm1, $0xE00, v5  }
0x19: {  	p0 =	sne.s32 s0, $0x1F;
	s19 =	ssub.s32 s2, s17;
	s14 =	sand.u32 $0x30, s5;
	v1 =	vsel vm1, $0x2600, v1;
	v2 =	vsel vm1, $0x3E00, v2;
	v3 =	vsel vm1, $0x5600, v3  }
.Ltmp0:
0x1a: {  	s5 =	simm.s32 $0x1A080;
	s22 =	sadd.s32 s4, s18;
	vm0 =	veq.s32 v4, v0;
	vm1 =	vcmask $0x3B38;
	v4 =	vsel vm2, $0xE80, v5;
	(pc) =	sbr.rel .LBB2_1-.Ltmp0, $4  }
0x1b: {  	s23 =	sadd.s32 $0x180, s18;
	s26 =	sadd.s32 s6, s18;
	[dreg:$0xa] =	wrdreg s22;
	v5 =	vsel vm2, $0x2680, v1;
	v7 =	vsel vm2, $0x3E80, v2;
	v8 =	vsel vm2, $0x5680, v3  }
0x1c: {  	s2 =	simm.s32 $0x2;
	s24 =	sadd.s32 s4, s23;
	[dreg:$0xd] =	wrdreg s26;
	v3 =	vmul.u32 $0x80, v0;
	v1 =	vsel vm1, $0xF00, v4;
	v2 =	vsel vm1, $0x2700, v5  }
0x1d: {  	s20 =	sadd.s32 s6, s23;
	s22 =	smax.u32 s19, $0x1;
	s26 =	simm.s32 $0xC00;
	v4 =	vsel vm1, $0x3F00, v7;
	v5 =	vsel vm1, $0x5700, v8;
	vm1 =	veq.s32 v6, v0  }
0x1e: {  	s15 =	smul.u32 $0x52, s0;
	[dreg:$0xb] =	wrdreg s24;
	s0 =	simm.s32 $0x0;
	v6 =	vor.u32 $0x800, v3;
	v7 =	vor.u32 $0x1000, v3;
	v8 =	vor.u32 $0x1800, v3  }
.LBB2_30:
0x1f: {  	[sflag:s2] =	ssyncadd.s32 $0xFFFFFF80  }
.LBB2_31:
0x20: {  	s0 =	sadd.s32 $0x1, s0  }
0x21: {  	p1 =	sne.s32 s0, s22  }
.Ltmp1:
0x22: {  	_ = 	snop;
	(pc) =	sbr.rel @!p1 .LBB2_32-.Ltmp1, $1  }
0x23: {  	_ =	sdelay $0x3  }
.LBB2_1:
0x24: {  	s1 =	rddreg [dreg:$0x0]  }
0x25: {  	[tilespmem:s7], [sflag:$0x3] =	stream.linear.gather [hbm4b:s1+s7], $0x4000, $0x38;
	[tilespmem:$0x1D080] =	vst v63  }
0x26: {  	_ =	swait.ge [sflag:s25], $0x4000  }
0x27: {  	[sflag:s25] =	ssyncset.done $0x0  }
0x28: {  	[sflag:s25] =	ssyncadd.s32 $0xFFFFC000  }
0x29: {  	s3 =	simm.s32 $0x4000;
	s17 =	rddreg [dreg:$0x1]  }
0x2a: {  	[tilespmem:s3], [sflag:$0x3] =	stream.linear.gather [hbm4b:s17+s7], $0x4000, $0x38;
	[tilespmem:$0x1D080] =	vst v63  }
0x2b: {  	_ =	swait.ge [sflag:s25], $0x4000  }
0x2c: {  	[sflag:s25] =	ssyncset.done $0x0  }
0x2d: {  	s19 =	simm.s32 $0x8000;
	s18 =	rddreg [dreg:$0x8];
	[sflag:s25] =	ssyncadd.s32 $0xFFFFC000  }
0x2e: {  	[tilespmem:s19], [sflag:$0x3] =	stream.linear.gather [hbm4b:s18+s7], $0x80, $0x38;
	[tilespmem:$0x1D080] =	vst v63  }
0x2f: {  	_ =	swait.ge [sflag:s25], $0x80  }
0x30: {  	[sflag:s25] =	ssyncset.done $0x0  }
0x31: {  	[sflag:s25] =	ssyncadd.s32 $0xFFFFFF80  }
0x32: {  	v9 =	vld [tilespmem:s14+$0x8000]  }
0x33: {  	v10 =	vld [tilespmem:s8+$0x8000];
	_ =	sdelay $0x3  }
0x34: {  	v9 =	vnsel vm1, $0x0, v9  }
0x35: {  	(xrf0) =	vadd.scan.msk.s32 $0xffff, v9;
	v9 =	vnsel vm0, $0x0, v10  }
0x36: {  	(xrf0) =	vadd.scan.msk.s32 $0xffff, v9;
	_ =	sdelay $0x4  }
0x37: {  	v9, _, _ =	vpop (xrf0)  }
0x38: {  	(v2sf) =	vpush v9, $0xF;
	v9, _, _ =	vpop (xrf0)  }
0x39: {  	(v2sf) =	vpush v9, $0xF;
	_ =	sdelay $0x8  }
0x3a: {  	s23 =	rddreg [dreg:$0xa]  }
0x3b: {  	[tilespmem:s29], [sflag:$0x1] =	stream.strided.gather [hbm4b:s23+s26], $0x6000, s28, s26, $0x38;
	[tilespmem:$0x1D080] =	vst v63  }
.Ltmp2:
0x3c: {  	_ = 	snop;
	(pc) =	sbr.rel .LBB2_2-.Ltmp2, $4  }
0x3d: {  	s24 =	rddreg [dreg:$0xb]  }
0x3e: {  	[tilespmem:s30], [sflag:$0x1] =	stream.strided.gather [hbm4b:s24+s26], $0x6000, s28, s26, $0x38;
	[tilespmem:$0x1D080] =	vst v63  }
0x3f: {  	s9 =	spop (v2sf)  }
0x40: {  	s1 =	simm.s32 $0x0;
	s3 =	simm.s32 $0x0;
	s10 =	spop (v2sf)  }
.LBB2_5:
0x41: {  	s3 =	sadd.s32 $0x1, s3  }
0x42: {  	p2 =	sne.s32 s3, $0x52  }
.Ltmp3:
0x43: {  	_ = 	snop;
	(pc) =	sbr.rel @!p2 .LBB2_6-.Ltmp3, $1  }
0x44: {  	_ =	sdelay $0x3  }
.LBB2_2:
0x45: {  	s11 =	smul.u32 $0xAB, s3;
	_ =	sdelay $0x1  }
0x46: {  	s16 =	sadd.s32 $0x156, s11  }
0x47: {  	s16 =	sshrl.u32 s16, $0x9  }
0x48: {  	s11 =	sshrl.u32 s11, $0x9;
	s16 =	sand.u32 $0x7F, s16  }
0x49: {  	s11 =	sand.u32 $0x7F, s11;
	s16 =	smul.u32 $0x3, s16  }
0x4a: {  	s17 =	sadd.s32 $0x2, s3;
	s11 =	smul.u32 $0x3, s11  }
0x4b: {  	s18 =	sadd.s32 s15, s17;
	s16 =	ssub.s32 s17, s16  }
0x4c: {  	p1 =	slt.s32 s18, $0xA2B;
	s11 =	ssub.s32 s3, s11;
	s16 =	sand.u32 $0xFF, s16  }
0x4d: {  	s18 =	simm.s32 @!p1 $0xA2B;
	s11 =	sand.u32 $0xFF, s11;
	s16 =	smul.u32 $0x18000, s16  }
0x4e: {  	s23 =	smul.u32 $0x180, s18;
	v9 =	vmov s11  }
0x4f: {  	s24 =	sadd.s32 s15, s3;
	v9 =	vmul.u32 $0x6000, v9;
	s16 =	sshrl.u32 s16, $0x2  }
0x50: {  	s17 =	sadd.s32 s4, s23;
	s11 =	smul.u32 $0x180, s24;
	s16 =	sadd.s32 $0x8080, s16  }
0x51: {  	v12 =	vbroadcast v9, $0x0;
	[tilespmem:s16], [sflag:$0x1] =	stream.strided.gather [hbm4b:s17+s26], $0x6000, s28, s26, $0x38;
	[tilespmem:$0x1D080] =	vst v63  }
0x52: {  	_ =	swait.ge [sflag:s31], $0x6000  }
0x53: {  	s11 =	smin.u32 s11, $0xF4080;
	v9 =	vor.u32 v1, v12;
	[sflag:s31] =	ssyncset.done $0x0  }
0x54: {  	s11 =	sadd.s32 $0x180, s11;
	v10 =	vadd.s32 v2, v12;
	v11 =	vadd.s32 v4, v12;
	v12 =	vadd.s32 v5, v12;
	s16 =	sshll.u32 s1, $0x7;
	[sflag:s31] =	ssyncadd.s32 $0xFFFFA000  }
.LBB2_3:
0x55: {  	s17 =	sand.u32 $0xF, s10  }
0x56: {  	s18 =	sshra.s32 s10, $0x1F;
	p1 =	slt.s32 s10, $0x1;
	p2 =	sne.s32 s17, $0x0  }
0x57: {  	s23 =	sshrl.u32 s18, $0x1C;
	p1 =	por !p1, !p2  }
0x58: {  	s18 =	simm.s32 $0x1;
	s17 =	sadd.s32 s23, s10;
	p1 =	por !p1, !p1  }
0x59: {  	s17 =	sshrl.u32 s17, $0x4;
	s18 =	simm.s32 @!p1 $0x0  }
0x5a: {  	s17 =	ssub.s32 s17, s18  }
0x5b: {  	s17 =	sshll.u32 s17, $0x4  }
0x5c: {  	v13 =	vld [tilespmem:s17+$0x0];
	_ =	sdelay $0x1  }
0x5d: {  	s24 =	ssub.s32 s10, s17  }
0x5e: {  	v14 =	vmov s24  }
0x5f: {  	vm2 =	veq.s32 v14, v0  }
0x60: {  	v13 =	vnsel vm2, $0x0, v13  }
0x61: {  	(xrf0) =	vadd.scan.msk.s32 $0xffff, v13;
	_ =	sdelay $0x5  }
0x62: {  	v13, _, _ =	vpop (xrf0)  }
0x63: {  	(v2sf) =	vpush v13, $0xF;
	_ =	sdelay $0xe  }
0x64: {  	p1 =	sge.s32 s10, s9;
	s18 =	spop (v2sf)  }
0x65: {  	p2 =	sge.s32 @!p1 s18, s11  }
0x66: {  	p2 =	por p1, p2  }
.Ltmp4:
0x67: {  	_ = 	snop;
	(pc) =	sbr.rel @p2 .LBB2_5-.Ltmp4, $1  }
0x68: {  	_ =	sdelay $0x3  }
0x69: {  	s23 =	smulhi.u32 $0x2AAAAAAB, s18;
	s24 =	sshra.s32 s18, $0x1F  }
0x6a: {  	s24 =	smul.u32 $0x2AAAAAAB, s24;
	_ =	sdelay $0x1  }
0x6b: {  	s23 =	sadd.s32 s24, s23  }
0x6c: {  	s24 =	sshrl.u32 s23, $0x1F;
	s23 =	sshrl.u32 s23, $0x6  }
0x6d: {  	s23 =	sadd.s32 s24, s23  }
0x6e: {  	s23 =	smul.u32 $0x180, s23;
	_ =	sdelay $0x1  }
0x6f: {  	s18 =	ssub.s32 s18, s23  }
0x70: {  	p1 =	slt.s32 s18, $0x0;
	s23 =	sadd.s32 $0x180, s18  }
0x71: {  	s18 =	smov.u32 @p1 s23  }
0x72: {  	v13 =	vmov s18  }
0x73: {  	v14 =	vld [tilespmem:s17+$0x4000];
	v15 =	vshll.u32 v13, $0x3  }
0x74: {  	v15 =	vand.u32 $0xFFFFFC00, v15  }
0x75: {  	v13 =	vand.u32 $0x7F, v13;
	v16 =	vadd.s32 v9, v15  }
0x76: {  	v16 =	vor.u32 v13, v16;
	_ =	sdelay $0x1  }
0x77: {  	v14 =	vnsel vm2, $0x0, v14  }
0x78: {  	(xrf0) =	vadd.scan.msk.s32 $0xffff, v14;
	_ =	sdelay $0x1  }
0x79: {  	v62 =	vadd.s32 v10, v15;
	v14 =	vld.idx.msk [tilespmem:v16+s29+$0x0], $0xffff  }
0x7a: {  	v16 =	vor.u32 v13, v62;
	_ =	sdelay $0x2  }
0x7b: {  	s23 =	sand.u32 $0xF80, s16;
	v17, _, _ =	vpop (xrf0)  }
0x7c: {  	(v2sf) =	vpush v17, $0xF;
	[tilespmem:s23+$0x1C080] =	vst v14  }
0x7d: {  	v63 =	vadd.s32 v11, v15;
	v14 =	vld.idx.msk [tilespmem:v16+s29+$0x0], $0xffff  }
0x7e: {  	v16 =	vor.u32 v13, v63;
	_ =	sdelay $0x3  }
0x7f: {  	[tilespmem:s23+$0x1C090] =	vst v14  }
0x80: {  	v15 =	vadd.s32 v12, v15;
	v14 =	vld.idx.msk [tilespmem:v16+s29+$0x0], $0xffff  }
0x81: {  	v13 =	vor.u32 v13, v15;
	_ =	sdelay $0x3  }
0x82: {  	[tilespmem:s23+$0x1C0A0] =	vst v14  }
0x83: {  	v13 =	vld.idx.msk [tilespmem:v13+s29+$0x0], $0xffff;
	_ =	sdelay $0x1  }
0x84: {  	s24 =	spop (v2sf)  }
0x85: {  	s1 =	sadd.s32 $0x1, s1;
	s18 =	sshll.u32 s24, $0x4  }
0x86: {  	p1 =	slt.s32 s1, $0x19;
	s19 =	sadd.s32 $0x1C080, s23;
	s18 =	sand.u32 $0x1FFFFFF0, s18  }
.Ltmp5:
0x87: {  	s17 =	simm.s32 @!p1 $0x2;
	s24 =	sadd.s32 s12, s18;
	[tilespmem:s23+$0x1C0B0] =	vst v13;
	(pc) =	sbr.rel .LBB2_3-.Ltmp5, $4  }
0x88: {  	[hbm4b:s24+s7] =	stream.linear.scatter [tilespmem:s19], [sflag:$0x2], $0x80, $0x38;
	[tilespmem:$0x1D080] =	vst v63  }
0x89: {  	_ =	swait.ge @!p1 [sflag:s17], $0x80  }
0x8a: {  	[sflag:s17] =	ssyncset.done @!p1 $0x0  }
0x8b: {  	s10 =	sadd.s32 $0x1, s10;
	s16 =	sadd.s32 $0x80, s16;
	[sflag:s17] =	ssyncadd.s32 @!p1 $0xFFFFFF80  }
.LBB2_6:
0x8c: {  	_ =	swait.ge [sflag:s31], $0x6000  }
0x8d: {  	[sflag:s31] =	ssyncset.done $0x0  }
0x8e: {  	[sflag:s31] =	ssyncadd.s32 $0xFFFFA000  }
0x8f: {  	_ =	swait.ge [sflag:s31], $0x6000  }
0x90: {  	s3 =	simm.s32 @!p0 $0x400;
	s11 =	simm.s32 @!p0 $0x7A1400;
	[sflag:s31] =	ssyncset.done $0x0  }
0x91: {  	s17 =	simm.s32 @!p0 $0x1A080;
	s18 =	rddreg [dreg:$0xc];
	[sflag:s31] =	ssyncadd.s32 $0xFFFFA000  }
0x92: {  	[tilespmem:s17], [sflag:$0x3] =	stream.strided.gather @!p0 [hbm4b:s18+s3], $0x2000, s11, s3, $0x38;
	[tilespmem:$0x1D080] =	vst v63  }
.Ltmp6:
0x93: {  	_ = 	snop;
	(pc) =	sbr.rel @p1 .LBB2_14-.Ltmp6, $4  }
0x94: {  	s3 =	simm.s32 @!p0 $0x3  }
0x95: {  	_ =	swait.ge @!p0 [sflag:s3], $0x2000  }
0x96: {  	[sflag:s3] =	ssyncset.done @!p0 $0x0  }
0x97: {  	[sflag:s3] =	ssyncadd.s32 @!p0 $0xFFFFE000  }
0x98: {  	s3 =	sand.u32 $0xF, s10  }
0x99: {  	p1 =	slt.s32 s10, $0x1;
	s11 =	sadd.s32 $0x1, s10;
	p2 =	sne.s32 s3, $0x0  }
0x9a: {  	p1 =	por !p1, !p2;
	p2 =	slt.s32 s11, s9  }
.Ltmp7:
0x9b: {  	s17 =	sshra.s32 s10, $0x1F;
	(pc) =	sbr.rel @!p2 .LBB2_8-.Ltmp7, $4  }
0x9c: {  	s24 =	sshrl.u32 s17, $0x1C  }
0x9d: {  	s17 =	simm.s32 $0x1;
	s3 =	sadd.s32 s24, s10;
	p1 =	por !p1, !p1  }
0x9e: {  	s3 =	sshrl.u32 s3, $0x4;
	s17 =	simm.s32 @!p1 $0x0  }
0x9f: {  	p1 =	por $0x0, $0x0;
	s18 =	ssub.s32 s3, s17  }
0xa0: {  	s3 =	sshll.u32 s18, $0x4  }
0xa1: {  	v9 =	vld [tilespmem:s3+$0x0];
	_ =	sdelay $0x1  }
0xa2: {  	s10 =	ssub.s32 s10, s3  }
0xa3: {  	v10 =	vmov s10  }
0xa4: {  	vm2 =	veq.s32 v10, v0  }
0xa5: {  	v9 =	vnsel vm2, $0x0, v9  }
0xa6: {  	(xrf0) =	vadd.scan.msk.s32 $0xffff, v9;
	_ =	sdelay $0x5  }
0xa7: {  	v9, _, _ =	vpop (xrf0)  }
0xa8: {  	(v2sf) =	vpush v9, $0xF;
	_ =	sdelay $0x3  }
0xa9: {  	v9 =	vld [tilespmem:s3+$0x4000];
	_ =	sdelay $0x4  }
0xaa: {  	v9 =	vnsel vm2, $0x0, v9  }
0xab: {  	(xrf0) =	vadd.scan.msk.s32 $0xffff, v9;
	_ =	sdelay $0x4  }
0xac: {  	s10 =	spop (v2sf)  }
0xad: {  	v9, _, _ =	vpop (xrf0);
	s3 =	sadd.s32 $0xFFF0BE00, s10  }
0xae: {  	(v2sf) =	vpush v9, $0xF;
	v9 =	vadd.s32 s3, v3;
	_ =	sdelay $0x4  }
0xaf: {  	v9 =	vld.idx.msk [tilespmem:v9+s5+$0x0], $0xffff  }
0xb0: {  	v10 =	vadd.s32 s3, v6;
	_ =	sdelay $0x2  }
0xb1: {  	s24 =	sand.u32 $0xF80, s16  }
0xb2: {  	[tilespmem:s24+$0x1C080] =	vst v9  }
0xb3: {  	v9 =	vld.idx.msk [tilespmem:v10+s5+$0x0], $0xffff  }
0xb4: {  	v10 =	vadd.s32 s3, v7;
	_ =	sdelay $0x3  }
0xb5: {  	[tilespmem:s24+$0x1C090] =	vst v9  }
0xb6: {  	v9 =	vld.idx.msk [tilespmem:v10+s5+$0x0], $0xffff  }
0xb7: {  	v10 =	vadd.s32 s3, v8;
	_ =	sdelay $0x1  }
0xb8: {  	s18 =	sand.u32 $0xF, s11;
	s19 =	sshra.s32 s11, $0x1F;
	p1 =	slt.s32 s11, $0x1  }
0xb9: {  	s1 =	sadd.s32 $0x1, s1;
	p3 =	sne.s32 s18, $0x0;
	s10 =	sadd.s32 $0x1, s11  }
0xba: {  	s19 =	sshrl.u32 s19, $0x1C;
	s18 =	simm.s32 $0x1;
	p2 =	slt.s32 s10, s9;
	[tilespmem:s24+$0x1C0A0] =	vst v9  }
.Ltmp8:
0xbb: {  	p1 =	por !p1, !p3;
	s17 =	spop (v2sf);
	v9 =	vld.idx.msk [tilespmem:v10+s5+$0x0], $0xffff;
	(pc) =	sbr.rel @!p2 .LBB2_10-.Ltmp8, $4  }
0xbc: {  	p3 =	slt.s32 s1, $0x19;
	p1 =	por !p1, !p1;
	s17 =	sshll.u32 s17, $0x4  }
0xbd: {  	s18 =	simm.s32 @!p1 $0x0;
	s17 =	sand.u32 $0x1FFFFFF0, s17;
	s3 =	sadd.s32 s19, s11  }
0xbe: {  	p1 =	por $0x1, $0x1;
	s23 =	sadd.s32 s12, s17;
	s3 =	sshrl.u32 s3, $0x4  }
0xbf: {  	s17 =	sadd.s32 $0x1C080, s24;
	s18 =	ssub.s32 s3, s18;
	s3 =	smov.u32 s16  }
.LBB2_11:
0xc0: {  	[tilespmem:s24+$0x1C0B0] =	vst v9;
	s24 =	simm.s32 @!p3 $0x2  }
0xc1: {  	s3 =	sadd.s32 $0x80, s3;
	s19 =	smov.u32 s10;
	s10 =	sadd.s32 $0x1, s10  }
0xc2: {  	[hbm4b:s23+s7] =	stream.linear.scatter [tilespmem:s17], [sflag:$0x2], $0x80, $0x38;
	[tilespmem:$0x1D080] =	vst v63  }
0xc3: {  	p2 =	slt.s32 s10, s9;
	_ =	swait.ge @!p3 [sflag:s24], $0x80  }
0xc4: {  	s17 =	sshll.u32 s18, $0x4;
	[sflag:s24] =	ssyncset.done @!p3 $0x0  }
0xc5: {  	s18 =	ssub.s32 s11, s17;
	s11 =	smov.u32 s19;
	[sflag:s24] =	ssyncadd.s32 @!p3 $0xFFFFFF80  }
0xc6: {  	v10 =	vmov s18;
	v9 =	vld [tilespmem:s17+$0x0]  }
0xc7: {  	v11 =	vld [tilespmem:s17+$0x4000];
	_ =	sdelay $0x1  }
0xc8: {  	vm2 =	veq.s32 v10, v0;
	_ =	sdelay $0x1  }
0xc9: {  	v9 =	vnsel vm2, $0x0, v9  }
0xca: {  	v10 =	vnsel vm2, $0x0, v11;
	(xrf0) =	vadd.scan.msk.s32 $0xffff, v9  }
0xcb: {  	(xrf0) =	vadd.scan.msk.s32 $0xffff, v10;
	_ =	sdelay $0x4  }
0xcc: {  	v9, _, _ =	vpop (xrf0)  }
0xcd: {  	(v2sf) =	vpush v9, $0xF;
	v9, _, _ =	vpop (xrf0)  }
0xce: {  	(v2sf) =	vpush v9, $0xF;
	_ =	sdelay $0xd  }
0xcf: {  	s17 =	spop (v2sf)  }
0xd0: {  	s18 =	sadd.s32 $0xFFF0BE00, s17;
	s17 =	spop (v2sf)  }
0xd1: {  	v9 =	vadd.s32 s18, v3;
	s17 =	sshll.u32 s17, $0x4  }
0xd2: {  	s17 =	sand.u32 $0x1FFFFFF0, s17  }
0xd3: {  	s23 =	sadd.s32 s12, s17;
	_ =	sdelay $0x2  }
0xd4: {  	v9 =	vld.idx.msk [tilespmem:v9+s5+$0x0], $0xffff  }
0xd5: {  	v10 =	vadd.s32 s18, v6;
	_ =	sdelay $0x2  }
0xd6: {  	s24 =	sand.u32 $0xF80, s3  }
0xd7: {  	s17 =	sadd.s32 $0x1C080, s24  }
0xd8: {  	[tilespmem:s24+$0x1C080] =	vst v9  }
0xd9: {  	v9 =	vld.idx.msk [tilespmem:v10+s5+$0x0], $0xffff  }
0xda: {  	v10 =	vadd.s32 s18, v7;
	_ =	sdelay $0x4  }
0xdb: {  	[tilespmem:s24+$0x1C090] =	vst v9  }
0xdc: {  	v9 =	vld.idx.msk [tilespmem:v10+s5+$0x0], $0xffff  }
0xdd: {  	v10 =	vadd.s32 s18, v8;
	_ =	sdelay $0x4  }
0xde: {  	[tilespmem:s24+$0x1C0A0] =	vst v9  }
0xdf: {  	s19 =	sand.u32 $0xF, s11;
	s18 =	sshra.s32 s11, $0x1F;
	v9 =	vld.idx.msk [tilespmem:v10+s5+$0x0], $0xffff  }
.Ltmp9:
0xe0: {  	p3 =	slt.s32 s11, $0x1;
	p4 =	sne.s32 s19, $0x0;
	(pc) =	sbr.rel @p2 .LBB2_11-.Ltmp9, $4  }
0xe1: {  	p3 =	por !p3, !p4;
	s18 =	sshrl.u32 s18, $0x1C  }
0xe2: {  	s19 =	simm.s32 $0x1;
	p3 =	por !p3, !p3;
	s18 =	sadd.s32 s18, s11  }
0xe3: {  	s1 =	sadd.s32 $0x1, s1;
	s19 =	simm.s32 @!p3 $0x0;
	s18 =	sshrl.u32 s18, $0x4  }
0xe4: {  	p3 =	slt.s32 s1, $0x19;
	s18 =	ssub.s32 s18, s19  }
0xe5: {  	s10 =	smov.u32 s11  }
.LBB2_13:
0xe6: {  	p2 =	por p3, !p1  }
0xe7: {  	[tilespmem:s24+$0x1C0B0] =	vst @p1 v9;
	s9 =	simm.s32 @!p2 $0x2  }
0xe8: {  	[hbm4b:s23+s7] =	stream.linear.scatter @p1 [tilespmem:s17], [sflag:$0x2], $0x80, $0x38;
	[tilespmem:$0x1D080] =	vst v63  }
0xe9: {  	_ =	swait.ge @!p2 [sflag:s9], $0x80  }
0xea: {  	[sflag:s9] =	ssyncset.done @!p2 $0x0  }
0xeb: {  	s11 =	sshll.u32 s18, $0x4;
	[sflag:s9] =	ssyncadd.s32 @!p2 $0xFFFFFF80  }
0xec: {  	v9 =	vld [tilespmem:s11+$0x0];
	_ =	sdelay $0x1  }
0xed: {  	s18 =	ssub.s32 s10, s11  }
0xee: {  	v10 =	vmov s18  }
0xef: {  	vm2 =	veq.s32 v10, v0  }
0xf0: {  	v9 =	vnsel vm2, $0x0, v9  }
0xf1: {  	(xrf0) =	vadd.scan.msk.s32 $0xffff, v9;
	_ =	sdelay $0x5  }
0xf2: {  	v9, _, _ =	vpop (xrf0)  }
0xf3: {  	(v2sf) =	vpush v9, $0xF;
	_ =	sdelay $0xd  }
0xf4: {  	v9 =	vld [tilespmem:s11+$0x4000]  }
0xf5: {  	s19 =	spop (v2sf)  }
0xf6: {  	s9 =	sadd.s32 $0xFFF0BE00, s19  }
0xf7: {  	v10 =	vadd.s32 s9, v3;
	_ =	sdelay $0x1  }
0xf8: {  	v9 =	vnsel vm2, $0x0, v9  }
0xf9: {  	(xrf0) =	vadd.scan.msk.s32 $0xffff, v9;
	_ =	sdelay $0x1  }
0xfa: {  	v9 =	vld.idx.msk [tilespmem:v10+s5+$0x0], $0xffff  }
0xfb: {  	v10 =	vadd.s32 s9, v6  }
0xfc: {  	s3 =	sadd.s32 @p1 $0x80, s3  }
0xfd: {  	s16 =	smov.u32 @p1 s3  }
0xfe: {  	s3 =	sand.u32 $0xF80, s16;
	v11, _, _ =	vpop (xrf0)  }
0xff: {  	(v2sf) =	vpush v11, $0xF;
	[tilespmem:s3+$0x1C080] =	vst v9  }
0x100: {  	v9 =	vld.idx.msk [tilespmem:v10+s5+$0x0], $0xffff  }
0x101: {  	v10 =	vadd.s32 s9, v7;
	_ =	sdelay $0x3  }
0x102: {  	[tilespmem:s3+$0x1C090] =	vst v9  }
0x103: {  	v9 =	vld.idx.msk [tilespmem:v10+s5+$0x0], $0xffff  }
0x104: {  	v10 =	vadd.s32 s9, v8;
	_ =	sdelay $0x3  }
0x105: {  	[tilespmem:s3+$0x1C0A0] =	vst v9  }
0x106: {  	v9 =	vld.idx.msk [tilespmem:v10+s5+$0x0], $0xffff;
	_ =	sdelay $0x1  }
0x107: {  	s23 =	spop (v2sf)  }
0x108: {  	s1 =	sadd.s32 $0x1, s1;
	s9 =	sshll.u32 s23, $0x4  }
0x109: {  	p1 =	slt.s32 s1, $0x19;
	s9 =	sand.u32 $0x1FFFFFF0, s9  }
0x10a: {  	s24 =	sadd.s32 $0x1C080, s3;
	s9 =	sadd.s32 s12, s9;
	[tilespmem:s3+$0x1C0B0] =	vst v9;
	s3 =	simm.s32 @!p1 $0x2  }
0x10b: {  	[hbm4b:s9+s7] =	stream.linear.scatter [tilespmem:s24], [sflag:$0x2], $0x80, $0x38;
	[tilespmem:$0x1D080] =	vst v63  }
0x10c: {  	_ =	swait.ge @!p1 [sflag:s3], $0x80  }
0x10d: {  	[sflag:s3] =	ssyncset.done @!p1 $0x0  }
0x10e: {  	[sflag:s3] =	ssyncadd.s32 @!p1 $0xFFFFFF80  }
.LBB2_14:
0x10f: {  	s10 =	simm.s32 $0x0;
	s3 =	rddreg [dreg:$0x7]  }
0x110: {  	[tilespmem:s10], [sflag:$0x3] =	stream.linear.gather [hbm4b:s3+s10], $0x4000, $0x38;
	[tilespmem:$0x1D080] =	vst v63  }
0x111: {  	_ =	swait.ge [sflag:s25], $0x4000  }
0x112: {  	[sflag:s25] =	ssyncset.done $0x0  }
0x113: {  	[sflag:s25] =	ssyncadd.s32 $0xFFFFC000  }
0x114: {  	s9 =	simm.s32 $0x4000;
	s18 =	rddreg [dreg:$0x3]  }
0x115: {  	[tilespmem:s9], [sflag:$0x3] =	stream.linear.gather [hbm4b:s18+s10], $0x4000, $0x38;
	[tilespmem:$0x1D080] =	vst v63  }
0x116: {  	_ =	swait.ge [sflag:s25], $0x4000  }
0x117: {  	[sflag:s25] =	ssyncset.done $0x0  }
0x118: {  	s23 =	simm.s32 $0x8000;
	s19 =	rddreg [dreg:$0x9];
	[sflag:s25] =	ssyncadd.s32 $0xFFFFC000  }
0x119: {  	[tilespmem:s23], [sflag:$0x3] =	stream.linear.gather [hbm4b:s19+s10], $0x80, $0x38;
	[tilespmem:$0x1D080] =	vst v63  }
0x11a: {  	_ =	swait.ge [sflag:s25], $0x80  }
0x11b: {  	[sflag:s25] =	ssyncset.done $0x0  }
0x11c: {  	[sflag:s25] =	ssyncadd.s32 $0xFFFFFF80  }
0x11d: {  	v9 =	vld [tilespmem:s14+$0x8000]  }
0x11e: {  	v10 =	vld [tilespmem:s8+$0x8000];
	_ =	sdelay $0x3  }
0x11f: {  	v9 =	vnsel vm1, $0x0, v9  }
0x120: {  	(xrf0) =	vadd.scan.msk.s32 $0xffff, v9;
	v9 =	vnsel vm0, $0x0, v10  }
0x121: {  	(xrf0) =	vadd.scan.msk.s32 $0xffff, v9;
	_ =	sdelay $0x4  }
0x122: {  	v9, _, _ =	vpop (xrf0)  }
0x123: {  	(v2sf) =	vpush v9, $0xF;
	v9, _, _ =	vpop (xrf0)  }
0x124: {  	(v2sf) =	vpush v9, $0xF;
	_ =	sdelay $0x8  }
0x125: {  	s24 =	rddreg [dreg:$0xd]  }
0x126: {  	[tilespmem:s29], [sflag:$0x1] =	stream.strided.gather [hbm4b:s24+s26], $0x6000, s28, s26, $0x38;
	[tilespmem:$0x1D080] =	vst v63  }
.Ltmp10:
0x127: {  	_ = 	snop;
	(pc) =	sbr.rel .LBB2_15-.Ltmp10, $4  }
0x128: {  	_ = 	snop  }
0x129: {  	[tilespmem:s30], [sflag:$0x1] =	stream.strided.gather [hbm4b:s20+s26], $0x6000, s28, s26, $0x38;
	[tilespmem:$0x1D080] =	vst v63  }
0x12a: {  	s9 =	spop (v2sf)  }
0x12b: {  	s11 =	spop (v2sf)  }
.LBB2_18:
0x12c: {  	s10 =	sadd.s32 $0x1, s10  }
0x12d: {  	p2 =	sne.s32 s10, $0x52  }
.Ltmp11:
0x12e: {  	_ = 	snop;
	(pc) =	sbr.rel @!p2 .LBB2_19-.Ltmp11, $1  }
0x12f: {  	_ =	sdelay $0x3  }
.LBB2_15:
0x130: {  	s3 =	smul.u32 $0xAB, s10;
	_ =	sdelay $0x1  }
0x131: {  	s16 =	sadd.s32 $0x156, s3  }
0x132: {  	s16 =	sshrl.u32 s16, $0x9  }
0x133: {  	s3 =	sshrl.u32 s3, $0x9;
	s16 =	sand.u32 $0x7F, s16  }
0x134: {  	s3 =	sand.u32 $0x7F, s3;
	s16 =	smul.u32 $0x3, s16  }
0x135: {  	s17 =	sadd.s32 $0x2, s10;
	s3 =	smul.u32 $0x3, s3  }
0x136: {  	s18 =	sadd.s32 s15, s17;
	s16 =	ssub.s32 s17, s16  }
0x137: {  	p1 =	slt.s32 s18, $0xA2B;
	s3 =	ssub.s32 s10, s3;
	s16 =	sand.u32 $0xFF, s16  }
0x138: {  	s18 =	simm.s32 @!p1 $0xA2B;
	s3 =	sand.u32 $0xFF, s3;
	s16 =	smul.u32 $0x18000, s16  }
0x139: {  	s23 =	smul.u32 $0x180, s18;
	v9 =	vmov s3  }
0x13a: {  	s24 =	sadd.s32 s15, s10;
	v9 =	vmul.u32 $0x6000, v9;
	s16 =	sshrl.u32 s16, $0x2  }
0x13b: {  	s17 =	sadd.s32 s6, s23;
	s3 =	smul.u32 $0x180, s24;
	s16 =	sadd.s32 $0x8080, s16  }
0x13c: {  	v12 =	vbroadcast v9, $0x0;
	[tilespmem:s16], [sflag:$0x1] =	stream.strided.gather [hbm4b:s17+s26], $0x6000, s28, s26, $0x38;
	[tilespmem:$0x1D080] =	vst v63  }
0x13d: {  	_ =	swait.ge [sflag:s31], $0x6000  }
0x13e: {  	s3 =	smin.u32 s3, $0xF4080;
	v9 =	vor.u32 v1, v12;
	[sflag:s31] =	ssyncset.done $0x0  }
0x13f: {  	s16 =	sadd.s32 $0x180, s3;
	v10 =	vadd.s32 v2, v12;
	v11 =	vadd.s32 v4, v12;
	v12 =	vadd.s32 v5, v12;
	s3 =	sshll.u32 s1, $0x7;
	[sflag:s31] =	ssyncadd.s32 $0xFFFFA000  }
.LBB2_16:
0x140: {  	s17 =	sand.u32 $0xF, s11  }
0x141: {  	s18 =	sshra.s32 s11, $0x1F;
	p1 =	slt.s32 s11, $0x1;
	p2 =	sne.s32 s17, $0x0  }
0x142: {  	s23 =	sshrl.u32 s18, $0x1C;
	p1 =	por !p1, !p2  }
0x143: {  	s18 =	simm.s32 $0x1;
	s17 =	sadd.s32 s23, s11;
	p1 =	por !p1, !p1  }
0x144: {  	s17 =	sshrl.u32 s17, $0x4;
	s18 =	simm.s32 @!p1 $0x0  }
0x145: {  	s17 =	ssub.s32 s17, s18  }
0x146: {  	s17 =	sshll.u32 s17, $0x4  }
0x147: {  	v13 =	vld [tilespmem:s17+$0x0];
	_ =	sdelay $0x1  }
0x148: {  	s24 =	ssub.s32 s11, s17  }
0x149: {  	v14 =	vmov s24  }
0x14a: {  	vm2 =	veq.s32 v14, v0  }
0x14b: {  	v13 =	vnsel vm2, $0x0, v13  }
0x14c: {  	(xrf0) =	vadd.scan.msk.s32 $0xffff, v13;
	_ =	sdelay $0x5  }
0x14d: {  	v13, _, _ =	vpop (xrf0)  }
0x14e: {  	(v2sf) =	vpush v13, $0xF;
	_ =	sdelay $0xe  }
0x14f: {  	p1 =	sge.s32 s11, s9;
	s18 =	spop (v2sf)  }
0x150: {  	p2 =	sge.s32 @!p1 s18, s16  }
0x151: {  	p2 =	por p1, p2  }
.Ltmp12:
0x152: {  	_ = 	snop;
	(pc) =	sbr.rel @p2 .LBB2_18-.Ltmp12, $1  }
0x153: {  	_ =	sdelay $0x3  }
0x154: {  	s19 =	smulhi.u32 $0x2AAAAAAB, s18;
	s23 =	sshra.s32 s18, $0x1F  }
0x155: {  	s23 =	smul.u32 $0x2AAAAAAB, s23;
	_ =	sdelay $0x1  }
0x156: {  	s19 =	sadd.s32 s23, s19  }
0x157: {  	s23 =	sshrl.u32 s19, $0x1F;
	s19 =	sshrl.u32 s19, $0x6  }
0x158: {  	s19 =	sadd.s32 s23, s19  }
0x159: {  	s19 =	smul.u32 $0x180, s19;
	_ =	sdelay $0x1  }
0x15a: {  	s18 =	ssub.s32 s18, s19  }
0x15b: {  	p1 =	slt.s32 s18, $0x0;
	s19 =	sadd.s32 $0x180, s18  }
0x15c: {  	s18 =	smov.u32 @p1 s19  }
0x15d: {  	v13 =	vmov s18  }
0x15e: {  	v14 =	vld [tilespmem:s17+$0x4000];
	v15 =	vshll.u32 v13, $0x3  }
0x15f: {  	v15 =	vand.u32 $0xFFFFFC00, v15  }
0x160: {  	v13 =	vand.u32 $0x7F, v13;
	v16 =	vadd.s32 v9, v15  }
0x161: {  	v16 =	vor.u32 v13, v16;
	_ =	sdelay $0x1  }
0x162: {  	v14 =	vnsel vm2, $0x0, v14  }
0x163: {  	(xrf0) =	vadd.scan.msk.s32 $0xffff, v14;
	_ =	sdelay $0x1  }
0x164: {  	v62 =	vadd.s32 v10, v15;
	v14 =	vld.idx.msk [tilespmem:v16+s29+$0x0], $0xffff  }
0x165: {  	v16 =	vor.u32 v13, v62;
	_ =	sdelay $0x2  }
0x166: {  	s24 =	sand.u32 $0xF80, s3;
	v17, _, _ =	vpop (xrf0)  }
0x167: {  	(v2sf) =	vpush v17, $0xF;
	[tilespmem:s24+$0x1C080] =	vst v14  }
0x168: {  	v63 =	vadd.s32 v11, v15;
	v14 =	vld.idx.msk [tilespmem:v16+s29+$0x0], $0xffff  }
0x169: {  	v16 =	vor.u32 v13, v63;
	_ =	sdelay $0x3  }
0x16a: {  	[tilespmem:s24+$0x1C090] =	vst v14  }
0x16b: {  	v15 =	vadd.s32 v12, v15;
	v14 =	vld.idx.msk [tilespmem:v16+s29+$0x0], $0xffff  }
0x16c: {  	v13 =	vor.u32 v13, v15;
	_ =	sdelay $0x3  }
0x16d: {  	[tilespmem:s24+$0x1C0A0] =	vst v14  }
0x16e: {  	v13 =	vld.idx.msk [tilespmem:v13+s29+$0x0], $0xffff;
	_ =	sdelay $0x1  }
0x16f: {  	s19 =	spop (v2sf)  }
0x170: {  	s1 =	sadd.s32 $0x1, s1;
	s18 =	sshll.u32 s19, $0x4  }
0x171: {  	s23 =	sadd.s32 $0x1C080, s24;
	p1 =	slt.s32 s1, $0x19;
	s18 =	sand.u32 $0x1FFFFFF0, s18  }
.Ltmp13:
0x172: {  	s17 =	simm.s32 @!p1 $0x2;
	[tilespmem:s24+$0x1C0B0] =	vst v13;
	s24 =	sadd.s32 s13, s18;
	(pc) =	sbr.rel .LBB2_16-.Ltmp13, $4  }
0x173: {  	[hbm4b:s24+s7] =	stream.linear.scatter [tilespmem:s23], [sflag:$0x2], $0x80, $0x38;
	[tilespmem:$0x1D080] =	vst v63  }
0x174: {  	_ =	swait.ge @!p1 [sflag:s17], $0x80  }
0x175: {  	[sflag:s17] =	ssyncset.done @!p1 $0x0  }
0x176: {  	s11 =	sadd.s32 $0x1, s11;
	s3 =	sadd.s32 $0x80, s3;
	[sflag:s17] =	ssyncadd.s32 @!p1 $0xFFFFFF80  }
.LBB2_19:
0x177: {  	_ =	swait.ge [sflag:s31], $0x6000  }
0x178: {  	[sflag:s31] =	ssyncset.done $0x0  }
0x179: {  	[sflag:s31] =	ssyncadd.s32 $0xFFFFA000  }
0x17a: {  	_ =	swait.ge [sflag:s31], $0x6000  }
0x17b: {  	s10 =	simm.s32 @!p0 $0x400;
	[sflag:s31] =	ssyncset.done $0x0  }
0x17c: {  	s16 =	simm.s32 @!p0 $0x7A1400;
	s17 =	simm.s32 @!p0 $0x1A080;
	[sflag:s31] =	ssyncadd.s32 $0xFFFFA000  }
0x17d: {  	[tilespmem:s17], [sflag:$0x3] =	stream.strided.gather @!p0 [hbm4b:s21+s10], $0x2000, s16, s10, $0x38;
	[tilespmem:$0x1D080] =	vst v63  }
.Ltmp14:
0x17e: {  	_ = 	snop;
	(pc) =	sbr.rel @p1 .LBB2_27-.Ltmp14, $4  }
0x17f: {  	s10 =	simm.s32 @!p0 $0x3  }
0x180: {  	_ =	swait.ge @!p0 [sflag:s10], $0x2000  }
0x181: {  	[sflag:s10] =	ssyncset.done @!p0 $0x0  }
0x182: {  	[sflag:s10] =	ssyncadd.s32 @!p0 $0xFFFFE000  }
0x183: {  	s10 =	sand.u32 $0xF, s11  }
0x184: {  	p1 =	slt.s32 s11, $0x1;
	p2 =	sne.s32 s10, $0x0;
	s10 =	sadd.s32 $0x1, s11  }
0x185: {  	p1 =	por !p1, !p2;
	p2 =	slt.s32 s10, s9  }
.Ltmp15:
0x186: {  	s16 =	sshra.s32 s11, $0x1F;
	(pc) =	sbr.rel @!p2 .LBB2_21-.Ltmp15, $4  }
0x187: {  	s16 =	sshrl.u32 s16, $0x1C  }
0x188: {  	s17 =	simm.s32 $0x1;
	s16 =	sadd.s32 s16, s11;
	p1 =	por !p1, !p1  }
0x189: {  	s16 =	sshrl.u32 s16, $0x4;
	s17 =	simm.s32 @!p1 $0x0  }
0x18a: {  	p1 =	por $0x0, $0x0;
	s18 =	ssub.s32 s16, s17  }
0x18b: {  	s16 =	sshll.u32 s18, $0x4  }
0x18c: {  	v9 =	vld [tilespmem:s16+$0x0];
	_ =	sdelay $0x1  }
0x18d: {  	s11 =	ssub.s32 s11, s16  }
0x18e: {  	v10 =	vmov s11  }
0x18f: {  	vm2 =	veq.s32 v10, v0  }
0x190: {  	v9 =	vnsel vm2, $0x0, v9  }
0x191: {  	(xrf0) =	vadd.scan.msk.s32 $0xffff, v9;
	_ =	sdelay $0x5  }
0x192: {  	v9, _, _ =	vpop (xrf0)  }
0x193: {  	(v2sf) =	vpush v9, $0xF;
	_ =	sdelay $0x3  }
0x194: {  	v9 =	vld [tilespmem:s16+$0x4000];
	_ =	sdelay $0x4  }
0x195: {  	v9 =	vnsel vm2, $0x0, v9  }
0x196: {  	(xrf0) =	vadd.scan.msk.s32 $0xffff, v9;
	_ =	sdelay $0x4  }
0x197: {  	s18 =	spop (v2sf)  }
0x198: {  	v9, _, _ =	vpop (xrf0);
	s19 =	sadd.s32 $0xFFF0BE00, s18  }
0x199: {  	(v2sf) =	vpush v9, $0xF;
	v9 =	vadd.s32 s19, v3;
	_ =	sdelay $0x4  }
0x19a: {  	v9 =	vld.idx.msk [tilespmem:v9+s5+$0x0], $0xffff  }
0x19b: {  	v10 =	vadd.s32 s19, v6;
	_ =	sdelay $0x2  }
0x19c: {  	s24 =	sand.u32 $0xF80, s3  }
0x19d: {  	[tilespmem:s24+$0x1C080] =	vst v9  }
0x19e: {  	v9 =	vld.idx.msk [tilespmem:v10+s5+$0x0], $0xffff  }
0x19f: {  	v10 =	vadd.s32 s19, v7;
	_ =	sdelay $0x3  }
0x1a0: {  	[tilespmem:s24+$0x1C090] =	vst v9  }
0x1a1: {  	v9 =	vld.idx.msk [tilespmem:v10+s5+$0x0], $0xffff  }
0x1a2: {  	v10 =	vadd.s32 s19, v8  }
0x1a3: {  	p1 =	slt.s32 s10, $0x1;
	s11 =	sadd.s32 $0x1, s10;
	s18 =	sand.u32 $0xF, s10  }
0x1a4: {  	s1 =	sadd.s32 $0x1, s1;
	p2 =	slt.s32 s11, s9;
	p3 =	sne.s32 s18, $0x0  }
0x1a5: {  	s18 =	simm.s32 $0x1;
	p1 =	por !p1, !p3;
	p3 =	slt.s32 s1, $0x19  }
.Ltmp16:
0x1a6: {  	s17 =	spop (v2sf);
	s19 =	sshra.s32 s10, $0x1F;
	[tilespmem:s24+$0x1C0A0] =	vst v9;
	(pc) =	sbr.rel @!p2 .LBB2_23-.Ltmp16, $4  }
0x1a7: {  	p1 =	por !p1, !p1;
	s17 =	sshll.u32 s17, $0x4;
	s19 =	sshrl.u32 s19, $0x1C;
	v9 =	vld.idx.msk [tilespmem:v10+s5+$0x0], $0xffff  }
0x1a8: {  	s18 =	simm.s32 @!p1 $0x0;
	s17 =	sand.u32 $0x1FFFFFF0, s17;
	s16 =	sadd.s32 s19, s10  }
0x1a9: {  	p1 =	por $0x1, $0x1;
	s23 =	sadd.s32 s13, s17;
	s16 =	sshrl.u32 s16, $0x4  }
0x1aa: {  	s17 =	sadd.s32 $0x1C080, s24;
	s18 =	ssub.s32 s16, s18;
	s16 =	smov.u32 s3  }
.LBB2_24:
0x1ab: {  	s19 =	simm.s32 @!p3 $0x2  }
0x1ac: {  	[tilespmem:s24+$0x1C0B0] =	vst v9;
	s16 =	sadd.s32 $0x80, s16;
	s24 =	smov.u32 s11;
	s11 =	sadd.s32 $0x1, s11  }
0x1ad: {  	[hbm4b:s23+s7] =	stream.linear.scatter [tilespmem:s17], [sflag:$0x2], $0x80, $0x38;
	[tilespmem:$0x1D080] =	vst v63  }
0x1ae: {  	p2 =	slt.s32 s11, s9;
	_ =	swait.ge @!p3 [sflag:s19], $0x80  }
0x1af: {  	s17 =	sshll.u32 s18, $0x4;
	[sflag:s19] =	ssyncset.done @!p3 $0x0  }
0x1b0: {  	s18 =	ssub.s32 s10, s17;
	s10 =	smov.u32 s24;
	[sflag:s19] =	ssyncadd.s32 @!p3 $0xFFFFFF80  }
0x1b1: {  	v10 =	vmov s18;
	v9 =	vld [tilespmem:s17+$0x0]  }
0x1b2: {  	v11 =	vld [tilespmem:s17+$0x4000];
	_ =	sdelay $0x1  }
0x1b3: {  	vm2 =	veq.s32 v10, v0;
	_ =	sdelay $0x1  }
0x1b4: {  	v9 =	vnsel vm2, $0x0, v9  }
0x1b5: {  	v10 =	vnsel vm2, $0x0, v11;
	(xrf0) =	vadd.scan.msk.s32 $0xffff, v9  }
0x1b6: {  	(xrf0) =	vadd.scan.msk.s32 $0xffff, v10;
	_ =	sdelay $0x4  }
0x1b7: {  	v9, _, _ =	vpop (xrf0)  }
0x1b8: {  	(v2sf) =	vpush v9, $0xF;
	v9, _, _ =	vpop (xrf0)  }
0x1b9: {  	(v2sf) =	vpush v9, $0xF;
	_ =	sdelay $0xd  }
0x1ba: {  	s17 =	spop (v2sf)  }
0x1bb: {  	s18 =	sadd.s32 $0xFFF0BE00, s17;
	s17 =	spop (v2sf)  }
0x1bc: {  	v9 =	vadd.s32 s18, v3;
	s17 =	sshll.u32 s17, $0x4  }
0x1bd: {  	s17 =	sand.u32 $0x1FFFFFF0, s17  }
0x1be: {  	s23 =	sadd.s32 s13, s17;
	_ =	sdelay $0x2  }
0x1bf: {  	v9 =	vld.idx.msk [tilespmem:v9+s5+$0x0], $0xffff  }
0x1c0: {  	v10 =	vadd.s32 s18, v6;
	_ =	sdelay $0x2  }
0x1c1: {  	s24 =	sand.u32 $0xF80, s16  }
0x1c2: {  	s17 =	sadd.s32 $0x1C080, s24  }
0x1c3: {  	[tilespmem:s24+$0x1C080] =	vst v9  }
0x1c4: {  	v9 =	vld.idx.msk [tilespmem:v10+s5+$0x0], $0xffff  }
0x1c5: {  	v10 =	vadd.s32 s18, v7;
	_ =	sdelay $0x4  }
0x1c6: {  	[tilespmem:s24+$0x1C090] =	vst v9  }
0x1c7: {  	v9 =	vld.idx.msk [tilespmem:v10+s5+$0x0], $0xffff  }
0x1c8: {  	v10 =	vadd.s32 s18, v8;
	_ =	sdelay $0x4  }
0x1c9: {  	[tilespmem:s24+$0x1C0A0] =	vst v9  }
0x1ca: {  	s19 =	sand.u32 $0xF, s10;
	s18 =	sshra.s32 s10, $0x1F;
	v9 =	vld.idx.msk [tilespmem:v10+s5+$0x0], $0xffff  }
.Ltmp17:
0x1cb: {  	p3 =	slt.s32 s10, $0x1;
	p4 =	sne.s32 s19, $0x0;
	(pc) =	sbr.rel @p2 .LBB2_24-.Ltmp17, $4  }
0x1cc: {  	p3 =	por !p3, !p4;
	s18 =	sshrl.u32 s18, $0x1C  }
0x1cd: {  	s19 =	simm.s32 $0x1;
	p3 =	por !p3, !p3;
	s18 =	sadd.s32 s18, s10  }
0x1ce: {  	s1 =	sadd.s32 $0x1, s1;
	s19 =	simm.s32 @!p3 $0x0;
	s18 =	sshrl.u32 s18, $0x4  }
0x1cf: {  	p3 =	slt.s32 s1, $0x19;
	s18 =	ssub.s32 s18, s19  }
0x1d0: {  	s11 =	smov.u32 s10  }
.LBB2_26:
0x1d1: {  	p2 =	por p3, !p1  }
0x1d2: {  	[tilespmem:s24+$0x1C0B0] =	vst @p1 v9;
	s9 =	simm.s32 @!p2 $0x2  }
0x1d3: {  	[hbm4b:s23+s7] =	stream.linear.scatter @p1 [tilespmem:s17], [sflag:$0x2], $0x80, $0x38;
	[tilespmem:$0x1D080] =	vst v63  }
0x1d4: {  	_ =	swait.ge @!p2 [sflag:s9], $0x80  }
0x1d5: {  	[sflag:s9] =	ssyncset.done @!p2 $0x0  }
0x1d6: {  	s10 =	sshll.u32 s18, $0x4;
	[sflag:s9] =	ssyncadd.s32 @!p2 $0xFFFFFF80  }
0x1d7: {  	v9 =	vld [tilespmem:s10+$0x0];
	_ =	sdelay $0x1  }
0x1d8: {  	s18 =	ssub.s32 s11, s10  }
0x1d9: {  	v10 =	vmov s18  }
0x1da: {  	vm2 =	veq.s32 v10, v0  }
0x1db: {  	v9 =	vnsel vm2, $0x0, v9  }
0x1dc: {  	(xrf0) =	vadd.scan.msk.s32 $0xffff, v9;
	_ =	sdelay $0x5  }
0x1dd: {  	v9, _, _ =	vpop (xrf0)  }
0x1de: {  	(v2sf) =	vpush v9, $0xF;
	_ =	sdelay $0xd  }
0x1df: {  	v9 =	vld [tilespmem:s10+$0x4000]  }
0x1e0: {  	s19 =	spop (v2sf)  }
0x1e1: {  	s9 =	sadd.s32 $0xFFF0BE00, s19  }
0x1e2: {  	v10 =	vadd.s32 s9, v3;
	_ =	sdelay $0x1  }
0x1e3: {  	v9 =	vnsel vm2, $0x0, v9  }
0x1e4: {  	(xrf0) =	vadd.scan.msk.s32 $0xffff, v9;
	_ =	sdelay $0x1  }
0x1e5: {  	v9 =	vld.idx.msk [tilespmem:v10+s5+$0x0], $0xffff  }
0x1e6: {  	v10 =	vadd.s32 s9, v6  }
0x1e7: {  	s10 =	sadd.s32 @p1 $0x80, s16  }
0x1e8: {  	s3 =	smov.u32 @p1 s10  }
0x1e9: {  	s3 =	sand.u32 $0xF80, s3;
	v11, _, _ =	vpop (xrf0)  }
0x1ea: {  	(v2sf) =	vpush v11, $0xF;
	[tilespmem:s3+$0x1C080] =	vst v9  }
0x1eb: {  	v9 =	vld.idx.msk [tilespmem:v10+s5+$0x0], $0xffff  }
0x1ec: {  	v10 =	vadd.s32 s9, v7;
	_ =	sdelay $0x3  }
0x1ed: {  	[tilespmem:s3+$0x1C090] =	vst v9  }
0x1ee: {  	v9 =	vld.idx.msk [tilespmem:v10+s5+$0x0], $0xffff  }
0x1ef: {  	v10 =	vadd.s32 s9, v8;
	_ =	sdelay $0x3  }
0x1f0: {  	[tilespmem:s3+$0x1C0A0] =	vst v9  }
0x1f1: {  	v9 =	vld.idx.msk [tilespmem:v10+s5+$0x0], $0xffff;
	_ =	sdelay $0x1  }
0x1f2: {  	s23 =	spop (v2sf)  }
0x1f3: {  	s1 =	sadd.s32 $0x1, s1;
	s9 =	sshll.u32 s23, $0x4  }
0x1f4: {  	p1 =	slt.s32 s1, $0x19;
	s9 =	sand.u32 $0x1FFFFFF0, s9  }
0x1f5: {  	s24 =	sadd.s32 $0x1C080, s3;
	s9 =	sadd.s32 s13, s9;
	[tilespmem:s3+$0x1C0B0] =	vst v9;
	s3 =	simm.s32 @!p1 $0x2  }
0x1f6: {  	[hbm4b:s9+s7] =	stream.linear.scatter [tilespmem:s24], [sflag:$0x2], $0x80, $0x38;
	[tilespmem:$0x1D080] =	vst v63  }
0x1f7: {  	_ =	swait.ge @!p1 [sflag:s3], $0x80  }
0x1f8: {  	[sflag:s3] =	ssyncset.done @!p1 $0x0  }
0x1f9: {  	[sflag:s3] =	ssyncadd.s32 @!p1 $0xFFFFFF80  }
.LBB2_27:
0x1fa: {  	p1 =	slt.s32 s1, $0x1  }
.Ltmp18:
0x1fb: {  	_ = 	snop;
	(pc) =	sbr.rel @p1 .LBB2_31-.Ltmp18, $1  }
0x1fc: {  	_ =	sdelay $0x3  }
0x1fd: {  	p1 =	slt.s32 s1, $0x18  }
0x1fe: {  	s1 =	simm.s32 @!p1 $0x18  }
0x1ff: {  	p1 =	sne.s32 s1, $0x1  }
.Ltmp19:
0x200: {  	_ = 	snop;
	(pc) =	sbr.rel @!p1 .LBB2_30-.Ltmp19, $3  }
0x201: {  	_ =	sdelay $0x1  }
0x202: {  	_ =	swait.ge [sflag:s2], $0x80  }
0x203: {  	[sflag:s2] =	ssyncset.done $0x0;
	s1 =	sadd.s32 $0xFFFFFFFF, s1  }
.LBB2_29:
0x204: {  	p1 =	sne.s32 s1, $0x1;
	s1 =	sadd.s32 $0xFFFFFFFF, s1;
	[sflag:s2] =	ssyncadd.s32 $0xFFFFFF80  }
.Ltmp20:
0x205: {  	(pc) =	sbr.rel @p1 .LBB2_29-.Ltmp20, $3  }
0x206: {  	_ =	sdelay $0x1  }
0x207: {  	_ =	swait.ge [sflag:s2], $0x80  }
0x208: {  	[sflag:s2] =	ssyncset.done $0x0  }
.Ltmp21:
0x209: {  	_ = 	snop;
	(pc) =	sbr.rel .LBB2_30-.Ltmp21, $1  }
0x20a: {  	_ =	sdelay $0x3  }
.LBB2_8:
.Ltmp22:
0x20b: {  	(pc) =	sbr.rel .LBB2_13-.Ltmp22, $2  }
0x20c: {  	_ =	sdelay $0x2  }
0x20d: {  	s3 =	smov.u32 s16  }
.LBB2_21:
.Ltmp23:
0x20e: {  	(pc) =	sbr.rel .LBB2_26-.Ltmp23, $2  }
0x20f: {  	_ =	sdelay $0x2  }
0x210: {  	s16 =	smov.u32 s3  }
.LBB2_10:
.Ltmp24:
0x211: {  	(pc) =	sbr.rel .LBB2_13-.Ltmp24, $2  }
0x212: {  	_ =	sdelay $0x2  }
0x213: {  	s3 =	smov.u32 s16;
	s10 =	smov.u32 s11  }
.LBB2_23:
.Ltmp25:
0x214: {  	(pc) =	sbr.rel .LBB2_26-.Ltmp25, $2  }
0x215: {  	_ =	sdelay $0x2  }
0x216: {  	s16 =	smov.u32 s3;
	s11 =	smov.u32 s10  }
.LBB2_32:
0x217: {  	_ =	sfence.sel $0x180000  }
0x218: {  	[bflag:$0x0] =	sbarrier.arrive $0xFFFF  }
0x219: {  	_ =	strace $0x90000047  }
0x21a: {  	s0 =	stileid.u32;
	[bflag:$0x2] =	sbarrier.arrive $0xFFFF  }
0x21b: {  	p0 =	sne.s32 s0, $0x0;
	s0 =	rddreg [dreg:$0x6]  }
0x21c: {  	s0 =	sadd.s32 @!p0 $0x100000, s0  }
0x21d: {  	[sflag:s0] =	ssyncadd.tile.s32 @!p0 $0x1;
	_ =	shalt  }
.Lfunc_end2:
_tile_overlayer_lowered:
.L_overlay_start_2:
0x21e: {  	(tag) =	ssettag $0x2  }
0x21f: {  	s0 =	rddreg [dreg:$0x0];
	s2 =	stileid.u32  }
0x220: {  	s1 =	rddreg [dreg:$0x1];
	p0 =	sne.s32 s2, $0x0  }
0x221: {  	s3 =	rddreg [dreg:$0x2];
	[bflag:$0x3] =	sbarrier.arrive $0xFFFF;
	s2 =	simm.s32 @!p0 $0x1C03  }
0x222: {  	[timem:s3], [sflag:s2] =	dma.local @!p0 [hbm:s0], s1  }
0x223: {  	s0 =	simm.s32 @!p0 $0x3  }
0x224: {  	_ =	swait.ge @!p0 [sflag:s0], s1  }
0x225: {  	s1 =	ssub.s32 @!p0 $0x0, s1;
	[sflag:s0] =	ssyncset.done @!p0 $0x0  }
0x226: {  	[sflag:s0] =	ssyncadd.s32 @!p0 s1  }
0x227: {  	[bflag:$0x3] =	sbarrier.arrive $0xFFFF  }
0x228: {  	_ =	shalt  }

</sc_bundles>
